<compile_context>
chip_gen: v7x
topology: tpu7x:2x2x1
jax: 0.10.2.dev20260603
libtpu: 0.0.44.dev20260713+nightly
codegen_flags: <defaults>
</compile_context>

<pallas_src>
import functools

import jax
import jax.numpy as jnp
from jax import lax
from jax.experimental import pallas as pl
from jax.experimental.pallas import tpu as pltpu
from jax.experimental.pallas import tpu_sc as plsc

_BATCH = 16384
_KU = 32
_KI = 32
_GD = 19
_H1 = 128
_H2 = 64


@functools.lru_cache(maxsize=1)
def _make_gather():
    info = plsc.get_sparse_core_info()
    nc, ns = info.num_cores, info.num_subcores
    nw = nc * ns
    b_per_w = _BATCH // nw

    mesh = plsc.VectorSubcoreMesh(core_axis_name="c", subcore_axis_name="s")

    @functools.partial(
        pl.kernel,
        mesh=mesh,
        compiler_params=pltpu.CompilerParams(use_tc_tiling_on_sc=True),
        out_type=[
            jax.ShapeDtypeStruct((_BATCH, 128), jnp.float32),
            jax.ShapeDtypeStruct((_BATCH, 128), jnp.float32),
        ],
        scratch_types=[
            pltpu.VMEM((b_per_w,), jnp.int32),
            pltpu.VMEM((b_per_w,), jnp.int32),
            pltpu.VMEM((b_per_w, 128), jnp.float32),
            pltpu.SemaphoreType.DMA,
        ],
    )
    def gather_k(u_hbm, i_hbm, ut_hbm, it_hbm, ue_out, ie_out,
                 uidx_v, iidx_v, rows_v, sem):
        wid = lax.axis_index("s") * nc + lax.axis_index("c")
        base = wid * b_per_w
        pltpu.sync_copy(u_hbm.at[pl.ds(base, b_per_w)], uidx_v)
        pltpu.sync_copy(i_hbm.at[pl.ds(base, b_per_w)], iidx_v)

        def one_table(tab_hbm, idx_v, out_hbm, width):
            def fire(grp, carry):
                off = pl.multiple_of(grp * 16, 16)
                vec = idx_v[pl.ds(off, 16)]
                for k in range(16):
                    pltpu.async_copy(
                        tab_hbm.at[vec[k]],
                        rows_v.at[off + k, pl.ds(0, width)], sem)
                return carry

            lax.fori_loop(0, b_per_w // 16, fire, 0)

            def drain(j, carry):
                pltpu.make_async_copy(tab_hbm.at[0],
                                      rows_v.at[j, pl.ds(0, width)],
                                      sem).wait()
                return carry

            lax.fori_loop(0, b_per_w, drain, 0)
            pltpu.sync_copy(rows_v, out_hbm.at[pl.ds(base, b_per_w)])

        one_table(ut_hbm, uidx_v, ue_out, _KU)
        one_table(it_hbm, iidx_v, ie_out, _KI)

    return gather_k


_BLK = 2048


def _mlp_body(ue, ie, g, s, w1, b1, w2, b2, w3, b3, out):
    x = jnp.concatenate([ue[:, :_KU], ie[:, :_KI], g[...], s[...]], axis=1)
    h = jnp.maximum(
        jnp.dot(x, w1[...], preferred_element_type=jnp.float32) + b1[...],
        0.0)
    h = jnp.maximum(
        jnp.dot(h, w2[...], preferred_element_type=jnp.float32) + b2[...],
        0.0)
    out[...] = jnp.sum(h * w3[...], axis=1, keepdims=True) + b3[...]


def _mlp(ue, ie, g, s2, w1, b1, w2, b2, w3r, b3):
    nblk = _BATCH // _BLK
    full = lambda shape: pl.BlockSpec(shape, lambda j: (0, 0))
    row = lambda d: pl.BlockSpec((_BLK, d), lambda j: (j, 0))
    in_dim = _KU + _KI + _GD + 1
    return pl.pallas_call(
        _mlp_body,
        grid=(nblk,),
        in_specs=[
            row(128), row(128), row(_GD), row(1),
            full((in_dim, _H1)), full((1, _H1)),
            full((_H1, _H2)), full((1, _H2)),
            full((1, _H2)), full((1, 1)),
        ],
        out_specs=pl.BlockSpec((_BLK, 1), lambda j: (j, 0)),
        out_shape=jax.ShapeDtypeStruct((_BATCH, 1), jnp.float32),
    )(ue, ie, g, s2, w1, b1, w2, b2, w3r, b3)


def kernel(u, i, g, s, user_table, item_table, W1, b1, W2, b2, W3, b3):
    ue, ie = _make_gather()(u.astype(jnp.int32), i.astype(jnp.int32),
                            user_table, item_table)
    s2 = s.reshape(_BATCH, 1)
    out = _mlp(ue, ie, g, s2, W1,
               b1.reshape(1, _H1), W2, b2.reshape(1, _H2),
               W3.reshape(1, _H2), b3.reshape(1, 1))
    return out.reshape(_BATCH)

# --- scband reference (transcript-rebuilt; emitter-appended) ---
"""Pipeline reference for scband-hybrid-rec-30786325577941 (READ-ONLY COPY).

The authoritative reference and input builder live on the scoring server;
editing this copy changes nothing except your own understanding.
"""

import jax, jax.numpy as jnp
import numpy as np

NUM_USERS = 1000000
NUM_ITEMS = 100000
K_USER = 32
K_ITEM = 32
GENRE_DIM = 19
HIDDEN = 128
BATCH = 16384


def setup_inputs(seed: int = 0) -> dict:
    key = jax.random.key(seed)
    ks = jax.random.split(key, 12)
    u = jax.random.randint(ks[0], (BATCH,), 0, NUM_USERS, dtype=jnp.int64 if jax.config.jax_enable_x64 else jnp.int32)
    i = jax.random.randint(ks[1], (BATCH,), 0, NUM_ITEMS, dtype=jnp.int64 if jax.config.jax_enable_x64 else jnp.int32)
    g = jax.random.uniform(ks[2], (BATCH, GENRE_DIM), dtype=jnp.float32)
    s = jax.random.uniform(ks[3], (BATCH,), dtype=jnp.float32)
    user_table = jax.random.normal(ks[4], (NUM_USERS, K_USER), dtype=jnp.float32) * 0.02
    item_table = jax.random.normal(ks[5], (NUM_ITEMS, K_ITEM), dtype=jnp.float32) * 0.02
    in_dim = K_USER + K_ITEM + GENRE_DIM + 1
    W1 = jax.random.normal(ks[6], (in_dim, HIDDEN), dtype=jnp.float32) * (1.0 / np.sqrt(in_dim))
    b1 = jnp.zeros((HIDDEN,), dtype=jnp.float32)
    W2 = jax.random.normal(ks[7], (HIDDEN, HIDDEN // 2), dtype=jnp.float32) * (1.0 / np.sqrt(HIDDEN))
    b2 = jnp.zeros((HIDDEN // 2,), dtype=jnp.float32)
    W3 = jax.random.normal(ks[8], (HIDDEN // 2, 1), dtype=jnp.float32) * (1.0 / np.sqrt(HIDDEN // 2))
    b3 = jnp.zeros((1,), dtype=jnp.float32)
    return {"u": u, "i": i, "g": g, "s": s,
            "user_table": user_table, "item_table": item_table,
            "W1": W1, "b1": b1, "W2": W2, "b2": b2, "W3": W3, "b3": b3}


def reference(u, i, g, s, user_table, item_table, W1, b1, W2, b2, W3, b3):
    ue = jnp.take(user_table, u, axis=0)
    ie = jnp.take(item_table, i, axis=0)
    if s.ndim == 1:
        s = s[:, None]
    x = jnp.concatenate([ue, ie, g, s], axis=1)
    h = jax.nn.relu(x @ W1 + b1)
    # dropout is identity in eval mode
    h = jax.nn.relu(h @ W2 + b2)
    out = h @ W3 + b3
    return out.squeeze(1)

if __name__ == "__main__":
    import jax
    _d = setup_inputs()
    print(jax.jit(kernel)(*tuple(_d.values())))

</pallas_src>

<mosaic_0001>
#map = affine_map<(d0, d1) -> (0)>
#map1 = affine_map<(d0, d1) -> (0, 0)>
module attributes {stable_mosaic.version = 14 : i64} {
  func.func @gather_k(%arg0: i32, %arg1: i32, %arg2: memref<16384xi32, #tpu.memory_space<hbm>>, %arg3: memref<16384xi32, #tpu.memory_space<hbm>>, %arg4: memref<1000000x32xf32, #tpu.memory_space<hbm>>, %arg5: memref<100000x32xf32, #tpu.memory_space<hbm>>, %arg6: memref<16384x128xf32, #tpu.memory_space<hbm>>, %arg7: memref<16384x128xf32, #tpu.memory_space<hbm>>, %arg8: memref<512xi32, #tpu.memory_space<vmem>>, %arg9: memref<512xi32, #tpu.memory_space<vmem>>, %arg10: memref<512x128xf32, #tpu.memory_space<vmem>>, %arg11: memref<!tpu.dma_semaphore, #tpu.memory_space<semaphore_mem>>) attributes {dimension_semantics = [#tpu.dimension_semantics<core_parallel>, #tpu.dimension_semantics<subcore_parallel>], iteration_bounds = array<i64: 2, 16>, scalar_prefetch = 0 : i64, scratch_operands = 4 : i64, tpu.core_type = #tpu.core_type<sc_vector_subcore>, window_params = [{transform_indices = #map}, {transform_indices = #map}, {transform_indices = #map1}, {transform_indices = #map1}, {transform_indices = #map1}, {transform_indices = #map1}]} {
    %mul3A = arith.constant 2 : i32
    %mul3A_0 = arith.muli %arg1, %mul3A : i32
    %add3A = arith.addi %mul3A_0, %arg0 : i32
    %mul3A_1 = arith.constant 512 : i32
    %mul3A_2 = arith.muli %add3A, %mul3A_1 : i32
    "tpu.region"() ({
      %run_scoped3A = tpu.sem_alloc : memref<!tpu.dma_semaphore, #tpu.memory_space<semaphore_mem>>
      %dma_start3A = tpu.memref_slice %arg2[%mul3A_2] : memref<16384xi32, #tpu.memory_space<hbm>> -> memref<512xi32, #tpu.memory_space<hbm>>
      %dma_start3A_26 = tpu.memref_slice %arg2[%mul3A_2] : memref<16384xi32, #tpu.memory_space<hbm>> -> memref<512xi32, #tpu.memory_space<hbm>>
      tpu.enqueue_dma source(%dma_start3A_26 : memref<512xi32, #tpu.memory_space<hbm>>) target(%arg8 : memref<512xi32, #tpu.memory_space<vmem>>) target_semaphore(%run_scoped3A : memref<!tpu.dma_semaphore, #tpu.memory_space<semaphore_mem>>)
      %dma_wait3A = tpu.memref_slice %arg2[%mul3A_2] : memref<16384xi32, #tpu.memory_space<hbm>> -> memref<512xi32, #tpu.memory_space<hbm>>
      %dma_wait3A_27 = tpu.memref_slice %arg2[%mul3A_2] : memref<16384xi32, #tpu.memory_space<hbm>> -> memref<512xi32, #tpu.memory_space<hbm>>
      tpu.wait_dma2 semaphore(%run_scoped3A : memref<!tpu.dma_semaphore, #tpu.memory_space<semaphore_mem>>) src(%dma_wait3A_27 : memref<512xi32, #tpu.memory_space<hbm>>) dst(%arg8 : memref<512xi32, #tpu.memory_space<vmem>>)
      tpu.yield
    }) : () -> ()
    "tpu.region"() ({
      %run_scoped3A = tpu.sem_alloc : memref<!tpu.dma_semaphore, #tpu.memory_space<semaphore_mem>>
      %dma_start3A = tpu.memref_slice %arg3[%mul3A_2] : memref<16384xi32, #tpu.memory_space<hbm>> -> memref<512xi32, #tpu.memory_space<hbm>>
      %dma_start3A_26 = tpu.memref_slice %arg3[%mul3A_2] : memref<16384xi32, #tpu.memory_space<hbm>> -> memref<512xi32, #tpu.memory_space<hbm>>
      tpu.enqueue_dma source(%dma_start3A_26 : memref<512xi32, #tpu.memory_space<hbm>>) target(%arg9 : memref<512xi32, #tpu.memory_space<vmem>>) target_semaphore(%run_scoped3A : memref<!tpu.dma_semaphore, #tpu.memory_space<semaphore_mem>>)
      %dma_wait3A = tpu.memref_slice %arg3[%mul3A_2] : memref<16384xi32, #tpu.memory_space<hbm>> -> memref<512xi32, #tpu.memory_space<hbm>>
      %dma_wait3A_27 = tpu.memref_slice %arg3[%mul3A_2] : memref<16384xi32, #tpu.memory_space<hbm>> -> memref<512xi32, #tpu.memory_space<hbm>>
      tpu.wait_dma2 semaphore(%run_scoped3A : memref<!tpu.dma_semaphore, #tpu.memory_space<semaphore_mem>>) src(%dma_wait3A_27 : memref<512xi32, #tpu.memory_space<hbm>>) dst(%arg9 : memref<512xi32, #tpu.memory_space<vmem>>)
      tpu.yield
    }) : () -> ()
    %scan3A = arith.constant 0 : i32
    %scan3A_3 = arith.constant 0 : i32
    %scan3A_4 = arith.constant 32 : i32
    %scan3A_5 = arith.addi %scan3A_3, %scan3A_4 : i32
    %scan3A_6 = arith.constant 1 : i32
    scf.for %scan3A_26 = %scan3A_3 to %scan3A_5 step %scan3A_6  : i32 {
      %mul3A_27 = arith.constant 16 : i32
      %mul3A_28 = arith.muli %scan3A_26, %mul3A_27 : i32
      %multiple_of3A = tpu.assume_multiple %mul3A_28, 16 : i32
      %get3A = arith.index_cast %multiple_of3A : i32 to index
      %get3A_29 = tpu.vector_load %arg8[%get3A] {strides = array<i32>} : memref<512xi32, #tpu.memory_space<vmem>>, vector<16xi32>,
      %get3A_30 = vector.shape_cast %get3A_29 : vector<16xi32> to vector<16xi32>
      %slice3A = vector.extract_strided_slice %get3A_30 {offsets = [0], sizes = [1], strides = [1]} : vector<16xi32> to vector<1xi32>
      %squeeze3A = vector.extract %slice3A[0] : i32 from vector<1xi32>
      %add3A_31 = arith.constant 0 : i32
      %add3A_32 = arith.addi %multiple_of3A, %add3A_31 : i32
      %dma_start3A = arith.constant 0 : i32
      %dma_start3A_33 = tpu.memref_slice %arg10[%add3A_32, %dma_start3A] : memref<512x128xf32, #tpu.memory_space<vmem>> -> memref<1x32xf32, #tpu.memory_space<vmem>>
      %dma_start3A_34 = tpu.memref_squeeze %dma_start3A_33 : memref<1x32xf32, #tpu.memory_space<vmem>> -> memref<32xf32, #tpu.memory_space<vmem>>
      %dma_start3A_35 = arith.constant 0 : i32
      %dma_start3A_36 = tpu.memref_slice %arg4[%squeeze3A, %dma_start3A_35] : memref<1000000x32xf32, #tpu.memory_space<hbm>> -> memref<1x32xf32, #tpu.memory_space<hbm>>
      %dma_start3A_37 = tpu.memref_squeeze %dma_start3A_36 : memref<1x32xf32, #tpu.memory_space<hbm>> -> memref<32xf32, #tpu.memory_space<hbm>>
      %dma_start3A_38 = arith.constant 0 : i32
      %dma_start3A_39 = tpu.memref_slice %arg10[%add3A_32, %dma_start3A_38] : memref<512x128xf32, #tpu.memory_space<vmem>> -> memref<1x32xf32, #tpu.memory_space<vmem>>
      %dma_start3A_40 = tpu.memref_squeeze %dma_start3A_39 : memref<1x32xf32, #tpu.memory_space<vmem>> -> memref<32xf32, #tpu.memory_space<vmem>>
      %dma_start3A_41 = arith.constant 0 : i32
      %dma_start3A_42 = tpu.memref_slice %arg4[%squeeze3A, %dma_start3A_41] : memref<1000000x32xf32, #tpu.memory_space<hbm>> -> memref<1x32xf32, #tpu.memory_space<hbm>>
      %dma_start3A_43 = tpu.memref_squeeze %dma_start3A_42 : memref<1x32xf32, #tpu.memory_space<hbm>> -> memref<32xf32, #tpu.memory_space<hbm>>
      tpu.enqueue_dma source(%dma_start3A_43 : memref<32xf32, #tpu.memory_space<hbm>>) target(%dma_start3A_40 : memref<32xf32, #tpu.memory_space<vmem>>) target_semaphore(%arg11 : memref<!tpu.dma_semaphore, #tpu.memory_space<semaphore_mem>>)
      %slice3A_44 = vector.extract_strided_slice %get3A_30 {offsets = [1], sizes = [1], strides = [1]} : vector<16xi32> to vector<1xi32>
      %squeeze3A_45 = vector.extract %slice3A_44[0] : i32 from vector<1xi32>
      %add3A_46 = arith.constant 1 : i32
      %add3A_47 = arith.addi %multiple_of3A, %add3A_46 : i32
      %dma_start3A_48 = arith.constant 0 : i32
      %dma_start3A_49 = tpu.memref_slice %arg10[%add3A_47, %dma_start3A_48] : memref<512x128xf32, #tpu.memory_space<vmem>> -> memref<1x32xf32, #tpu.memory_space<vmem>>
      %dma_start3A_50 = tpu.memref_squeeze %dma_start3A_49 : memref<1x32xf32, #tpu.memory_space<vmem>> -> memref<32xf32, #tpu.memory_space<vmem>>
      %dma_start3A_51 = arith.constant 0 : i32
      %dma_start3A_52 = tpu.memref_slice %arg4[%squeeze3A_45, %dma_start3A_51] : memref<1000000x32xf32, #tpu.memory_space<hbm>> -> memref<1x32xf32, #tpu.memory_space<hbm>>
      %dma_start3A_53 = tpu.memref_squeeze %dma_start3A_52 : memref<1x32xf32, #tpu.memory_space<hbm>> -> memref<32xf32, #tpu.memory_space<hbm>>
      %dma_start3A_54 = arith.constant 0 : i32
      %dma_start3A_55 = tpu.memref_slice %arg10[%add3A_47, %dma_start3A_54] : memref<512x128xf32, #tpu.memory_space<vmem>> -> memref<1x32xf32, #tpu.memory_space<vmem>>
      %dma_start3A_56 = tpu.memref_squeeze %dma_start3A_55 : memref<1x32xf32, #tpu.memory_space<vmem>> -> memref<32xf32, #tpu.memory_space<vmem>>
      %dma_start3A_57 = arith.constant 0 : i32
      %dma_start3A_58 = tpu.memref_slice %arg4[%squeeze3A_45, %dma_start3A_57] : memref<1000000x32xf32, #tpu.memory_space<hbm>> -> memref<1x32xf32, #tpu.memory_space<hbm>>
      %dma_start3A_59 = tpu.memref_squeeze %dma_start3A_58 : memref<1x32xf32, #tpu.memory_space<hbm>> -> memref<32xf32, #tpu.memory_space<hbm>>
      tpu.enqueue_dma source(%dma_start3A_59 : memref<32xf32, #tpu.memory_space<hbm>>) target(%dma_start3A_56 : memref<32xf32, #tpu.memory_space<vmem>>) target_semaphore(%arg11 : memref<!tpu.dma_semaphore, #tpu.memory_space<semaphore_mem>>)
      %slice3A_60 = vector.extract_strided_slice %get3A_30 {offsets = [2], sizes = [1], strides = [1]} : vector<16xi32> to vector<1xi32>
      %squeeze3A_61 = vector.extract %slice3A_60[0] : i32 from vector<1xi32>
      %add3A_62 = arith.constant 2 : i32
      %add3A_63 = arith.addi %multiple_of3A, %add3A_62 : i32
      %dma_start3A_64 = arith.constant 0 : i32
      %dma_start3A_65 = tpu.memref_slice %arg10[%add3A_63, %dma_start3A_64] : memref<512x128xf32, #tpu.memory_space<vmem>> -> memref<1x32xf32, #tpu.memory_space<vmem>>
      %dma_start3A_66 = tpu.memref_squeeze %dma_start3A_65 : memref<1x32xf32, #tpu.memory_space<vmem>> -> memref<32xf32, #tpu.memory_space<vmem>>
      %dma_start3A_67 = arith.constant 0 : i32
      %dma_start3A_68 = tpu.memref_slice %arg4[%squeeze3A_61, %dma_start3A_67] : memref<1000000x32xf32, #tpu.memory_space<hbm>> -> memref<1x32xf32, #tpu.memory_space<hbm>>
      %dma_start3A_69 = tpu.memref_squeeze %dma_start3A_68 : memref<1x32xf32, #tpu.memory_space<hbm>> -> memref<32xf32, #tpu.memory_space<hbm>>
      %dma_start3A_70 = arith.constant 0 : i32
      %dma_start3A_71 = tpu.memref_slice %arg10[%add3A_63, %dma_start3A_70] : memref<512x128xf32, #tpu.memory_space<vmem>> -> memref<1x32xf32, #tpu.memory_space<vmem>>
      %dma_start3A_72 = tpu.memref_squeeze %dma_start3A_71 : memref<1x32xf32, #tpu.memory_space<vmem>> -> memref<32xf32, #tpu.memory_space<vmem>>
      %dma_start3A_73 = arith.constant 0 : i32
      %dma_start3A_74 = tpu.memref_slice %arg4[%squeeze3A_61, %dma_start3A_73] : memref<1000000x32xf32, #tpu.memory_space<hbm>> -> memref<1x32xf32, #tpu.memory_space<hbm>>
      %dma_start3A_75 = tpu.memref_squeeze %dma_start3A_74 : memref<1x32xf32, #tpu.memory_space<hbm>> -> memref<32xf32, #tpu.memory_space<hbm>>
      tpu.enqueue_dma source(%dma_start3A_75 : memref<32xf32, #tpu.memory_space<hbm>>) target(%dma_start3A_72 : memref<32xf32, #tpu.memory_space<vmem>>) target_semaphore(%arg11 : memref<!tpu.dma_semaphore, #tpu.memory_space<semaphore_mem>>)
      %slice3A_76 = vector.extract_strided_slice %get3A_30 {offsets = [3], sizes = [1], strides = [1]} : vector<16xi32> to vector<1xi32>
      %squeeze3A_77 = vector.extract %slice3A_76[0] : i32 from vector<1xi32>
      %add3A_78 = arith.constant 3 : i32
      %add3A_79 = arith.addi %multiple_of3A, %add3A_78 : i32
      %dma_start3A_80 = arith.constant 0 : i32
      %dma_start3A_81 = tpu.memref_slice %arg10[%add3A_79, %dma_start3A_80] : memref<512x128xf32, #tpu.memory_space<vmem>> -> memref<1x32xf32, #tpu.memory_space<vmem>>
      %dma_start3A_82 = tpu.memref_squeeze %dma_start3A_81 : memref<1x32xf32, #tpu.memory_space<vmem>> -> memref<32xf32, #tpu.memory_space<vmem>>
      %dma_start3A_83 = arith.constant 0 : i32
      %dma_start3A_84 = tpu.memref_slice %arg4[%squeeze3A_77, %dma_start3A_83] : memref<1000000x32xf32, #tpu.memory_space<hbm>> -> memref<1x32xf32, #tpu.memory_space<hbm>>
      %dma_start3A_85 = tpu.memref_squeeze %dma_start3A_84 : memref<1x32xf32, #tpu.memory_space<hbm>> -> memref<32xf32, #tpu.memory_space<hbm>>
      %dma_start3A_86 = arith.constant 0 : i32
      %dma_start3A_87 = tpu.memref_slice %arg10[%add3A_79, %dma_start3A_86] : memref<512x128xf32, #tpu.memory_space<vmem>> -> memref<1x32xf32, #tpu.memory_space<vmem>>
      %dma_start3A_88 = tpu.memref_squeeze %dma_start3A_87 : memref<1x32xf32, #tpu.memory_space<vmem>> -> memref<32xf32, #tpu.memory_space<vmem>>
      %dma_start3A_89 = arith.constant 0 : i32
      %dma_start3A_90 = tpu.memref_slice %arg4[%squeeze3A_77, %dma_start3A_89] : memref<1000000x32xf32, #tpu.memory_space<hbm>> -> memref<1x32xf32, #tpu.memory_space<hbm>>
      %dma_start3A_91 = tpu.memref_squeeze %dma_start3A_90 : memref<1x32xf32, #tpu.memory_space<hbm>> -> memref<32xf32, #tpu.memory_space<hbm>>
      tpu.enqueue_dma source(%dma_start3A_91 : memref<32xf32, #tpu.memory_space<hbm>>) target(%dma_start3A_88 : memref<32xf32, #tpu.memory_space<vmem>>) target_semaphore(%arg11 : memref<!tpu.dma_semaphore, #tpu.memory_space<semaphore_mem>>)
      %slice3A_92 = vector.extract_strided_slice %get3A_30 {offsets = [4], sizes = [1], strides = [1]} : vector<16xi32> to vector<1xi32>
      %squeeze3A_93 = vector.extract %slice3A_92[0] : i32 from vector<1xi32>
      %add3A_94 = arith.constant 4 : i32
      %add3A_95 = arith.addi %multiple_of3A, %add3A_94 : i32
      %dma_start3A_96 = arith.constant 0 : i32
      %dma_start3A_97 = tpu.memref_slice %arg10[%add3A_95, %dma_start3A_96] : memref<512x128xf32, #tpu.memory_space<vmem>> -> memref<1x32xf32, #tpu.memory_space<vmem>>
      %dma_start3A_98 = tpu.memref_squeeze %dma_start3A_97 : memref<1x32xf32, #tpu.memory_space<vmem>> -> memref<32xf32, #tpu.memory_space<vmem>>
      %dma_start3A_99 = arith.constant 0 : i32
      %dma_start3A_100 = tpu.memref_slice %arg4[%squeeze3A_93, %dma_start3A_99] : memref<1000000x32xf32, #tpu.memory_space<hbm>> -> memref<1x32xf32, #tpu.memory_space<hbm>>
      %dma_start3A_101 = tpu.memref_squeeze %dma_start3A_100 : memref<1x32xf32, #tpu.memory_space<hbm>> -> memref<32xf32, #tpu.memory_space<hbm>>
      %dma_start3A_102 = arith.constant 0 : i32
      %dma_start3A_103 = tpu.memref_slice %arg10[%add3A_95, %dma_start3A_102] : memref<512x128xf32, #tpu.memory_space<vmem>> -> memref<1x32xf32, #tpu.memory_space<vmem>>
      %dma_start3A_104 = tpu.memref_squeeze %dma_start3A_103 : memref<1x32xf32, #tpu.memory_space<vmem>> -> memref<32xf32, #tpu.memory_space<vmem>>
      %dma_start3A_105 = arith.constant 0 : i32
      %dma_start3A_106 = tpu.memref_slice %arg4[%squeeze3A_93, %dma_start3A_105] : memref<1000000x32xf32, #tpu.memory_space<hbm>> -> memref<1x32xf32, #tpu.memory_space<hbm>>
      %dma_start3A_107 = tpu.memref_squeeze %dma_start3A_106 : memref<1x32xf32, #tpu.memory_space<hbm>> -> memref<32xf32, #tpu.memory_space<hbm>>
      tpu.enqueue_dma source(%dma_start3A_107 : memref<32xf32, #tpu.memory_space<hbm>>) target(%dma_start3A_104 : memref<32xf32, #tpu.memory_space<vmem>>) target_semaphore(%arg11 : memref<!tpu.dma_semaphore, #tpu.memory_space<semaphore_mem>>)
      %slice3A_108 = vector.extract_strided_slice %get3A_30 {offsets = [5], sizes = [1], strides = [1]} : vector<16xi32> to vector<1xi32>
      %squeeze3A_109 = vector.extract %slice3A_108[0] : i32 from vector<1xi32>
      %add3A_110 = arith.constant 5 : i32
      %add3A_111 = arith.addi %multiple_of3A, %add3A_110 : i32
      %dma_start3A_112 = arith.constant 0 : i32
      %dma_start3A_113 = tpu.memref_slice %arg10[%add3A_111, %dma_start3A_112] : memref<512x128xf32, #tpu.memory_space<vmem>> -> memref<1x32xf32, #tpu.memory_space<vmem>>
      %dma_start3A_114 = tpu.memref_squeeze %dma_start3A_113 : memref<1x32xf32, #tpu.memory_space<vmem>> -> memref<32xf32, #tpu.memory_space<vmem>>
      %dma_start3A_115 = arith.constant 0 : i32
      %dma_start3A_116 = tpu.memref_slice %arg4[%squeeze3A_109, %dma_start3A_115] : memref<1000000x32xf32, #tpu.memory_space<hbm>> -> memref<1x32xf32, #tpu.memory_space<hbm>>
      %dma_start3A_117 = tpu.memref_squeeze %dma_start3A_116 : memref<1x32xf32, #tpu.memory_space<hbm>> -> memref<32xf32, #tpu.memory_space<hbm>>
      %dma_start3A_118 = arith.constant 0 : i32
      %dma_start3A_119 = tpu.memref_slice %arg10[%add3A_111, %dma_start3A_118] : memref<512x128xf32, #tpu.memory_space<vmem>> -> memref<1x32xf32, #tpu.memory_space<vmem>>
      %dma_start3A_120 = tpu.memref_squeeze %dma_start3A_119 : memref<1x32xf32, #tpu.memory_space<vmem>> -> memref<32xf32, #tpu.memory_space<vmem>>
      %dma_start3A_121 = arith.constant 0 : i32
      %dma_start3A_122 = tpu.memref_slice %arg4[%squeeze3A_109, %dma_start3A_121] : memref<1000000x32xf32, #tpu.memory_space<hbm>> -> memref<1x32xf32, #tpu.memory_space<hbm>>
      %dma_start3A_123 = tpu.memref_squeeze %dma_start3A_122 : memref<1x32xf32, #tpu.memory_space<hbm>> -> memref<32xf32, #tpu.memory_space<hbm>>
      tpu.enqueue_dma source(%dma_start3A_123 : memref<32xf32, #tpu.memory_space<hbm>>) target(%dma_start3A_120 : memref<32xf32, #tpu.memory_space<vmem>>) target_semaphore(%arg11 : memref<!tpu.dma_semaphore, #tpu.memory_space<semaphore_mem>>)
      %slice3A_124 = vector.extract_strided_slice %get3A_30 {offsets = [6], sizes = [1], strides = [1]} : vector<16xi32> to vector<1xi32>
      %squeeze3A_125 = vector.extract %slice3A_124[0] : i32 from vector<1xi32>
      %add3A_126 = arith.constant 6 : i32
      %add3A_127 = arith.addi %multiple_of3A, %add3A_126 : i32
      %dma_start3A_128 = arith.constant 0 : i32
      %dma_start3A_129 = tpu.memref_slice %arg10[%add3A_127, %dma_start3A_128] : memref<512x128xf32, #tpu.memory_space<vmem>> -> memref<1x32xf32, #tpu.memory_space<vmem>>
      %dma_start3A_130 = tpu.memref_squeeze %dma_start3A_129 : memref<1x32xf32, #tpu.memory_space<vmem>> -> memref<32xf32, #tpu.memory_space<vmem>>
      %dma_start3A_131 = arith.constant 0 : i32
      %dma_start3A_132 = tpu.memref_slice %arg4[%squeeze3A_125, %dma_start3A_131] : memref<1000000x32xf32, #tpu.memory_space<hbm>> -> memref<1x32xf32, #tpu.memory_space<hbm>>
      %dma_start3A_133 = tpu.memref_squeeze %dma_start3A_132 : memref<1x32xf32, #tpu.memory_space<hbm>> -> memref<32xf32, #tpu.memory_space<hbm>>
      %dma_start3A_134 = arith.constant 0 : i32
      %dma_start3A_135 = tpu.memref_slice %arg10[%add3A_127, %dma_start3A_134] : memref<512x128xf32, #tpu.memory_space<vmem>> -> memref<1x32xf32, #tpu.memory_space<vmem>>
      %dma_start3A_136 = tpu.memref_squeeze %dma_start3A_135 : memref<1x32xf32, #tpu.memory_space<vmem>> -> memref<32xf32, #tpu.memory_space<vmem>>
      %dma_start3A_137 = arith.constant 0 : i32
      %dma_start3A_138 = tpu.memref_slice %arg4[%squeeze3A_125, %dma_start3A_137] : memref<1000000x32xf32, #tpu.memory_space<hbm>> -> memref<1x32xf32, #tpu.memory_space<hbm>>
      %dma_start3A_139 = tpu.memref_squeeze %dma_start3A_138 : memref<1x32xf32, #tpu.memory_space<hbm>> -> memref<32xf32, #tpu.memory_space<hbm>>
      tpu.enqueue_dma source(%dma_start3A_139 : memref<32xf32, #tpu.memory_space<hbm>>) target(%dma_start3A_136 : memref<32xf32, #tpu.memory_space<vmem>>) target_semaphore(%arg11 : memref<!tpu.dma_semaphore, #tpu.memory_space<semaphore_mem>>)
      %slice3A_140 = vector.extract_strided_slice %get3A_30 {offsets = [7], sizes = [1], strides = [1]} : vector<16xi32> to vector<1xi32>
      %squeeze3A_141 = vector.extract %slice3A_140[0] : i32 from vector<1xi32>
      %add3A_142 = arith.constant 7 : i32
      %add3A_143 = arith.addi %multiple_of3A, %add3A_142 : i32
      %dma_start3A_144 = arith.constant 0 : i32
      %dma_start3A_145 = tpu.memref_slice %arg10[%add3A_143, %dma_start3A_144] : memref<512x128xf32, #tpu.memory_space<vmem>> -> memref<1x32xf32, #tpu.memory_space<vmem>>
      %dma_start3A_146 = tpu.memref_squeeze %dma_start3A_145 : memref<1x32xf32, #tpu.memory_space<vmem>> -> memref<32xf32, #tpu.memory_space<vmem>>
      %dma_start3A_147 = arith.constant 0 : i32
      %dma_start3A_148 = tpu.memref_slice %arg4[%squeeze3A_141, %dma_start3A_147] : memref<1000000x32xf32, #tpu.memory_space<hbm>> -> memref<1x32xf32, #tpu.memory_space<hbm>>
      %dma_start3A_149 = tpu.memref_squeeze %dma_start3A_148 : memref<1x32xf32, #tpu.memory_space<hbm>> -> memref<32xf32, #tpu.memory_space<hbm>>
      %dma_start3A_150 = arith.constant 0 : i32
      %dma_start3A_151 = tpu.memref_slice %arg10[%add3A_143, %dma_start3A_150] : memref<512x128xf32, #tpu.memory_space<vmem>> -> memref<1x32xf32, #tpu.memory_space<vmem>>
      %dma_start3A_152 = tpu.memref_squeeze %dma_start3A_151 : memref<1x32xf32, #tpu.memory_space<vmem>> -> memref<32xf32, #tpu.memory_space<vmem>>
      %dma_start3A_153 = arith.constant 0 : i32
      %dma_start3A_154 = tpu.memref_slice %arg4[%squeeze3A_141, %dma_start3A_153] : memref<1000000x32xf32, #tpu.memory_space<hbm>> -> memref<1x32xf32, #tpu.memory_space<hbm>>
      %dma_start3A_155 = tpu.memref_squeeze %dma_start3A_154 : memref<1x32xf32, #tpu.memory_space<hbm>> -> memref<32xf32, #tpu.memory_space<hbm>>
      tpu.enqueue_dma source(%dma_start3A_155 : memref<32xf32, #tpu.memory_space<hbm>>) target(%dma_start3A_152 : memref<32xf32, #tpu.memory_space<vmem>>) target_semaphore(%arg11 : memref<!tpu.dma_semaphore, #tpu.memory_space<semaphore_mem>>)
      %slice3A_156 = vector.extract_strided_slice %get3A_30 {offsets = [8], sizes = [1], strides = [1]} : vector<16xi32> to vector<1xi32>
      %squeeze3A_157 = vector.extract %slice3A_156[0] : i32 from vector<1xi32>
      %add3A_158 = arith.constant 8 : i32
      %add3A_159 = arith.addi %multiple_of3A, %add3A_158 : i32
      %dma_start3A_160 = arith.constant 0 : i32
      %dma_start3A_161 = tpu.memref_slice %arg10[%add3A_159, %dma_start3A_160] : memref<512x128xf32, #tpu.memory_space<vmem>> -> memref<1x32xf32, #tpu.memory_space<vmem>>
      %dma_start3A_162 = tpu.memref_squeeze %dma_start3A_161 : memref<1x32xf32, #tpu.memory_space<vmem>> -> memref<32xf32, #tpu.memory_space<vmem>>
      %dma_start3A_163 = arith.constant 0 : i32
      %dma_start3A_164 = tpu.memref_slice %arg4[%squeeze3A_157, %dma_start3A_163] : memref<1000000x32xf32, #tpu.memory_space<hbm>> -> memref<1x32xf32, #tpu.memory_space<hbm>>
      %dma_start3A_165 = tpu.memref_squeeze %dma_start3A_164 : memref<1x32xf32, #tpu.memory_space<hbm>> -> memref<32xf32, #tpu.memory_space<hbm>>
      %dma_start3A_166 = arith.constant 0 : i32
      %dma_start3A_167 = tpu.memref_slice %arg10[%add3A_159, %dma_start3A_166] : memref<512x128xf32, #tpu.memory_space<vmem>> -> memref<1x32xf32, #tpu.memory_space<vmem>>
      %dma_start3A_168 = tpu.memref_squeeze %dma_start3A_167 : memref<1x32xf32, #tpu.memory_space<vmem>> -> memref<32xf32, #tpu.memory_space<vmem>>
      %dma_start3A_169 = arith.constant 0 : i32
      %dma_start3A_170 = tpu.memref_slice %arg4[%squeeze3A_157, %dma_start3A_169] : memref<1000000x32xf32, #tpu.memory_space<hbm>> -> memref<1x32xf32, #tpu.memory_space<hbm>>
      %dma_start3A_171 = tpu.memref_squeeze %dma_start3A_170 : memref<1x32xf32, #tpu.memory_space<hbm>> -> memref<32xf32, #tpu.memory_space<hbm>>
      tpu.enqueue_dma source(%dma_start3A_171 : memref<32xf32, #tpu.memory_space<hbm>>) target(%dma_start3A_168 : memref<32xf32, #tpu.memory_space<vmem>>) target_semaphore(%arg11 : memref<!tpu.dma_semaphore, #tpu.memory_space<semaphore_mem>>)
      %slice3A_172 = vector.extract_strided_slice %get3A_30 {offsets = [9], sizes = [1], strides = [1]} : vector<16xi32> to vector<1xi32>
      %squeeze3A_173 = vector.extract %slice3A_172[0] : i32 from vector<1xi32>
      %add3A_174 = arith.constant 9 : i32
      %add3A_175 = arith.addi %multiple_of3A, %add3A_174 : i32
      %dma_start3A_176 = arith.constant 0 : i32
      %dma_start3A_177 = tpu.memref_slice %arg10[%add3A_175, %dma_start3A_176] : memref<512x128xf32, #tpu.memory_space<vmem>> -> memref<1x32xf32, #tpu.memory_space<vmem>>
      %dma_start3A_178 = tpu.memref_squeeze %dma_start3A_177 : memref<1x32xf32, #tpu.memory_space<vmem>> -> memref<32xf32, #tpu.memory_space<vmem>>
      %dma_start3A_179 = arith.constant 0 : i32
      %dma_start3A_180 = tpu.memref_slice %arg4[%squeeze3A_173, %dma_start3A_179] : memref<1000000x32xf32, #tpu.memory_space<hbm>> -> memref<1x32xf32, #tpu.memory_space<hbm>>
      %dma_start3A_181 = tpu.memref_squeeze %dma_start3A_180 : memref<1x32xf32, #tpu.memory_space<hbm>> -> memref<32xf32, #tpu.memory_space<hbm>>
      %dma_start3A_182 = arith.constant 0 : i32
      %dma_start3A_183 = tpu.memref_slice %arg10[%add3A_175, %dma_start3A_182] : memref<512x128xf32, #tpu.memory_space<vmem>> -> memref<1x32xf32, #tpu.memory_space<vmem>>
      %dma_start3A_184 = tpu.memref_squeeze %dma_start3A_183 : memref<1x32xf32, #tpu.memory_space<vmem>> -> memref<32xf32, #tpu.memory_space<vmem>>
      %dma_start3A_185 = arith.constant 0 : i32
      %dma_start3A_186 = tpu.memref_slice %arg4[%squeeze3A_173, %dma_start3A_185] : memref<1000000x32xf32, #tpu.memory_space<hbm>> -> memref<1x32xf32, #tpu.memory_space<hbm>>
      %dma_start3A_187 = tpu.memref_squeeze %dma_start3A_186 : memref<1x32xf32, #tpu.memory_space<hbm>> -> memref<32xf32, #tpu.memory_space<hbm>>
      tpu.enqueue_dma source(%dma_start3A_187 : memref<32xf32, #tpu.memory_space<hbm>>) target(%dma_start3A_184 : memref<32xf32, #tpu.memory_space<vmem>>) target_semaphore(%arg11 : memref<!tpu.dma_semaphore, #tpu.memory_space<semaphore_mem>>)
      %slice3A_188 = vector.extract_strided_slice %get3A_30 {offsets = [10], sizes = [1], strides = [1]} : vector<16xi32> to vector<1xi32>
      %squeeze3A_189 = vector.extract %slice3A_188[0] : i32 from vector<1xi32>
      %add3A_190 = arith.constant 10 : i32
      %add3A_191 = arith.addi %multiple_of3A, %add3A_190 : i32
      %dma_start3A_192 = arith.constant 0 : i32
      %dma_start3A_193 = tpu.memref_slice %arg10[%add3A_191, %dma_start3A_192] : memref<512x128xf32, #tpu.memory_space<vmem>> -> memref<1x32xf32, #tpu.memory_space<vmem>>
      %dma_start3A_194 = tpu.memref_squeeze %dma_start3A_193 : memref<1x32xf32, #tpu.memory_space<vmem>> -> memref<32xf32, #tpu.memory_space<vmem>>
      %dma_start3A_195 = arith.constant 0 : i32
      %dma_start3A_196 = tpu.memref_slice %arg4[%squeeze3A_189, %dma_start3A_195] : memref<1000000x32xf32, #tpu.memory_space<hbm>> -> memref<1x32xf32, #tpu.memory_space<hbm>>
      %dma_start3A_197 = tpu.memref_squeeze %dma_start3A_196 : memref<1x32xf32, #tpu.memory_space<hbm>> -> memref<32xf32, #tpu.memory_space<hbm>>
      %dma_start3A_198 = arith.constant 0 : i32
      %dma_start3A_199 = tpu.memref_slice %arg10[%add3A_191, %dma_start3A_198] : memref<512x128xf32, #tpu.memory_space<vmem>> -> memref<1x32xf32, #tpu.memory_space<vmem>>
      %dma_start3A_200 = tpu.memref_squeeze %dma_start3A_199 : memref<1x32xf32, #tpu.memory_space<vmem>> -> memref<32xf32, #tpu.memory_space<vmem>>
      %dma_start3A_201 = arith.constant 0 : i32
      %dma_start3A_202 = tpu.memref_slice %arg4[%squeeze3A_189, %dma_start3A_201] : memref<1000000x32xf32, #tpu.memory_space<hbm>> -> memref<1x32xf32, #tpu.memory_space<hbm>>
      %dma_start3A_203 = tpu.memref_squeeze %dma_start3A_202 : memref<1x32xf32, #tpu.memory_space<hbm>> -> memref<32xf32, #tpu.memory_space<hbm>>
      tpu.enqueue_dma source(%dma_start3A_203 : memref<32xf32, #tpu.memory_space<hbm>>) target(%dma_start3A_200 : memref<32xf32, #tpu.memory_space<vmem>>) target_semaphore(%arg11 : memref<!tpu.dma_semaphore, #tpu.memory_space<semaphore_mem>>)
      %slice3A_204 = vector.extract_strided_slice %get3A_30 {offsets = [11], sizes = [1], strides = [1]} : vector<16xi32> to vector<1xi32>
      %squeeze3A_205 = vector.extract %slice3A_204[0] : i32 from vector<1xi32>
      %add3A_206 = arith.constant 11 : i32
      %add3A_207 = arith.addi %multiple_of3A, %add3A_206 : i32
      %dma_start3A_208 = arith.constant 0 : i32
      %dma_start3A_209 = tpu.memref_slice %arg10[%add3A_207, %dma_start3A_208] : memref<512x128xf32, #tpu.memory_space<vmem>> -> memref<1x32xf32, #tpu.memory_space<vmem>>
      %dma_start3A_210 = tpu.memref_squeeze %dma_start3A_209 : memref<1x32xf32, #tpu.memory_space<vmem>> -> memref<32xf32, #tpu.memory_space<vmem>>
      %dma_start3A_211 = arith.constant 0 : i32
      %dma_start3A_212 = tpu.memref_slice %arg4[%squeeze3A_205, %dma_start3A_211] : memref<1000000x32xf32, #tpu.memory_space<hbm>> -> memref<1x32xf32, #tpu.memory_space<hbm>>
      %dma_start3A_213 = tpu.memref_squeeze %dma_start3A_212 : memref<1x32xf32, #tpu.memory_space<hbm>> -> memref<32xf32, #tpu.memory_space<hbm>>
      %dma_start3A_214 = arith.constant 0 : i32
      %dma_start3A_215 = tpu.memref_slice %arg10[%add3A_207, %dma_start3A_214] : memref<512x128xf32, #tpu.memory_space<vmem>> -> memref<1x32xf32, #tpu.memory_space<vmem>>
      %dma_start3A_216 = tpu.memref_squeeze %dma_start3A_215 : memref<1x32xf32, #tpu.memory_space<vmem>> -> memref<32xf32, #tpu.memory_space<vmem>>
      %dma_start3A_217 = arith.constant 0 : i32
      %dma_start3A_218 = tpu.memref_slice %arg4[%squeeze3A_205, %dma_start3A_217] : memref<1000000x32xf32, #tpu.memory_space<hbm>> -> memref<1x32xf32, #tpu.memory_space<hbm>>
      %dma_start3A_219 = tpu.memref_squeeze %dma_start3A_218 : memref<1x32xf32, #tpu.memory_space<hbm>> -> memref<32xf32, #tpu.memory_space<hbm>>
      tpu.enqueue_dma source(%dma_start3A_219 : memref<32xf32, #tpu.memory_space<hbm>>) target(%dma_start3A_216 : memref<32xf32, #tpu.memory_space<vmem>>) target_semaphore(%arg11 : memref<!tpu.dma_semaphore, #tpu.memory_space<semaphore_mem>>)
      %slice3A_220 = vector.extract_strided_slice %get3A_30 {offsets = [12], sizes = [1], strides = [1]} : vector<16xi32> to vector<1xi32>
      %squeeze3A_221 = vector.extract %slice3A_220[0] : i32 from vector<1xi32>
      %add3A_222 = arith.constant 12 : i32
      %add3A_223 = arith.addi %multiple_of3A, %add3A_222 : i32
      %dma_start3A_224 = arith.constant 0 : i32
      %dma_start3A_225 = tpu.memref_slice %arg10[%add3A_223, %dma_start3A_224] : memref<512x128xf32, #tpu.memory_space<vmem>> -> memref<1x32xf32, #tpu.memory_space<vmem>>
      %dma_start3A_226 = tpu.memref_squeeze %dma_start3A_225 : memref<1x32xf32, #tpu.memory_space<vmem>> -> memref<32xf32, #tpu.memory_space<vmem>>
      %dma_start3A_227 = arith.constant 0 : i32
      %dma_start3A_228 = tpu.memref_slice %arg4[%squeeze3A_221, %dma_start3A_227] : memref<1000000x32xf32, #tpu.memory_space<hbm>> -> memref<1x32xf32, #tpu.memory_space<hbm>>
      %dma_start3A_229 = tpu.memref_squeeze %dma_start3A_228 : memref<1x32xf32, #tpu.memory_space<hbm>> -> memref<32xf32, #tpu.memory_space<hbm>>
      %dma_start3A_230 = arith.constant 0 : i32
      %dma_start3A_231 = tpu.memref_slice %arg10[%add3A_223, %dma_start3A_230] : memref<512x128xf32, #tpu.memory_space<vmem>> -> memref<1x32xf32, #tpu.memory_space<vmem>>
      %dma_start3A_232 = tpu.memref_squeeze %dma_start3A_231 : memref<1x32xf32, #tpu.memory_space<vmem>> -> memref<32xf32, #tpu.memory_space<vmem>>
      %dma_start3A_233 = arith.constant 0 : i32
      %dma_start3A_234 = tpu.memref_slice %arg4[%squeeze3A_221, %dma_start3A_233] : memref<1000000x32xf32, #tpu.memory_space<hbm>> -> memref<1x32xf32, #tpu.memory_space<hbm>>
      %dma_start3A_235 = tpu.memref_squeeze %dma_start3A_234 : memref<1x32xf32, #tpu.memory_space<hbm>> -> memref<32xf32, #tpu.memory_space<hbm>>
      tpu.enqueue_dma source(%dma_start3A_235 : memref<32xf32, #tpu.memory_space<hbm>>) target(%dma_start3A_232 : memref<32xf32, #tpu.memory_space<vmem>>) target_semaphore(%arg11 : memref<!tpu.dma_semaphore, #tpu.memory_space<semaphore_mem>>)
      %slice3A_236 = vector.extract_strided_slice %get3A_30 {offsets = [13], sizes = [1], strides = [1]} : vector<16xi32> to vector<1xi32>
      %squeeze3A_237 = vector.extract %slice3A_236[0] : i32 from vector<1xi32>
      %add3A_238 = arith.constant 13 : i32
      %add3A_239 = arith.addi %multiple_of3A, %add3A_238 : i32
      %dma_start3A_240 = arith.constant 0 : i32
      %dma_start3A_241 = tpu.memref_slice %arg10[%add3A_239, %dma_start3A_240] : memref<512x128xf32, #tpu.memory_space<vmem>> -> memref<1x32xf32, #tpu.memory_space<vmem>>
      %dma_start3A_242 = tpu.memref_squeeze %dma_start3A_241 : memref<1x32xf32, #tpu.memory_space<vmem>> -> memref<32xf32, #tpu.memory_space<vmem>>
      %dma_start3A_243 = arith.constant 0 : i32
      %dma_start3A_244 = tpu.memref_slice %arg4[%squeeze3A_237, %dma_start3A_243] : memref<1000000x32xf32, #tpu.memory_space<hbm>> -> memref<1x32xf32, #tpu.memory_space<hbm>>
      %dma_start3A_245 = tpu.memref_squeeze %dma_start3A_244 : memref<1x32xf32, #tpu.memory_space<hbm>> -> memref<32xf32, #tpu.memory_space<hbm>>
      %dma_start3A_246 = arith.constant 0 : i32
      %dma_start3A_247 = tpu.memref_slice %arg10[%add3A_239, %dma_start3A_246] : memref<512x128xf32, #tpu.memory_space<vmem>> -> memref<1x32xf32, #tpu.memory_space<vmem>>
      %dma_start3A_248 = tpu.memref_squeeze %dma_start3A_247 : memref<1x32xf32, #tpu.memory_space<vmem>> -> memref<32xf32, #tpu.memory_space<vmem>>
      %dma_start3A_249 = arith.constant 0 : i32
      %dma_start3A_250 = tpu.memref_slice %arg4[%squeeze3A_237, %dma_start3A_249] : memref<1000000x32xf32, #tpu.memory_space<hbm>> -> memref<1x32xf32, #tpu.memory_space<hbm>>
      %dma_start3A_251 = tpu.memref_squeeze %dma_start3A_250 : memref<1x32xf32, #tpu.memory_space<hbm>> -> memref<32xf32, #tpu.memory_space<hbm>>
      tpu.enqueue_dma source(%dma_start3A_251 : memref<32xf32, #tpu.memory_space<hbm>>) target(%dma_start3A_248 : memref<32xf32, #tpu.memory_space<vmem>>) target_semaphore(%arg11 : memref<!tpu.dma_semaphore, #tpu.memory_space<semaphore_mem>>)
      %slice3A_252 = vector.extract_strided_slice %get3A_30 {offsets = [14], sizes = [1], strides = [1]} : vector<16xi32> to vector<1xi32>
      %squeeze3A_253 = vector.extract %slice3A_252[0] : i32 from vector<1xi32>
      %add3A_254 = arith.constant 14 : i32
      %add3A_255 = arith.addi %multiple_of3A, %add3A_254 : i32
      %dma_start3A_256 = arith.constant 0 : i32
      %dma_start3A_257 = tpu.memref_slice %arg10[%add3A_255, %dma_start3A_256] : memref<512x128xf32, #tpu.memory_space<vmem>> -> memref<1x32xf32, #tpu.memory_space<vmem>>
      %dma_start3A_258 = tpu.memref_squeeze %dma_start3A_257 : memref<1x32xf32, #tpu.memory_space<vmem>> -> memref<32xf32, #tpu.memory_space<vmem>>
      %dma_start3A_259 = arith.constant 0 : i32
      %dma_start3A_260 = tpu.memref_slice %arg4[%squeeze3A_253, %dma_start3A_259] : memref<1000000x32xf32, #tpu.memory_space<hbm>> -> memref<1x32xf32, #tpu.memory_space<hbm>>
      %dma_start3A_261 = tpu.memref_squeeze %dma_start3A_260 : memref<1x32xf32, #tpu.memory_space<hbm>> -> memref<32xf32, #tpu.memory_space<hbm>>
      %dma_start3A_262 = arith.constant 0 : i32
      %dma_start3A_263 = tpu.memref_slice %arg10[%add3A_255, %dma_start3A_262] : memref<512x128xf32, #tpu.memory_space<vmem>> -> memref<1x32xf32, #tpu.memory_space<vmem>>
      %dma_start3A_264 = tpu.memref_squeeze %dma_start3A_263 : memref<1x32xf32, #tpu.memory_space<vmem>> -> memref<32xf32, #tpu.memory_space<vmem>>
      %dma_start3A_265 = arith.constant 0 : i32
      %dma_start3A_266 = tpu.memref_slice %arg4[%squeeze3A_253, %dma_start3A_265] : memref<1000000x32xf32, #tpu.memory_space<hbm>> -> memref<1x32xf32, #tpu.memory_space<hbm>>
      %dma_start3A_267 = tpu.memref_squeeze %dma_start3A_266 : memref<1x32xf32, #tpu.memory_space<hbm>> -> memref<32xf32, #tpu.memory_space<hbm>>
      tpu.enqueue_dma source(%dma_start3A_267 : memref<32xf32, #tpu.memory_space<hbm>>) target(%dma_start3A_264 : memref<32xf32, #tpu.memory_space<vmem>>) target_semaphore(%arg11 : memref<!tpu.dma_semaphore, #tpu.memory_space<semaphore_mem>>)
      %slice3A_268 = vector.extract_strided_slice %get3A_30 {offsets = [15], sizes = [1], strides = [1]} : vector<16xi32> to vector<1xi32>
      %squeeze3A_269 = vector.extract %slice3A_268[0] : i32 from vector<1xi32>
      %add3A_270 = arith.constant 15 : i32
      %add3A_271 = arith.addi %multiple_of3A, %add3A_270 : i32
      %dma_start3A_272 = arith.constant 0 : i32
      %dma_start3A_273 = tpu.memref_slice %arg10[%add3A_271, %dma_start3A_272] : memref<512x128xf32, #tpu.memory_space<vmem>> -> memref<1x32xf32, #tpu.memory_space<vmem>>
      %dma_start3A_274 = tpu.memref_squeeze %dma_start3A_273 : memref<1x32xf32, #tpu.memory_space<vmem>> -> memref<32xf32, #tpu.memory_space<vmem>>
      %dma_start3A_275 = arith.constant 0 : i32
      %dma_start3A_276 = tpu.memref_slice %arg4[%squeeze3A_269, %dma_start3A_275] : memref<1000000x32xf32, #tpu.memory_space<hbm>> -> memref<1x32xf32, #tpu.memory_space<hbm>>
      %dma_start3A_277 = tpu.memref_squeeze %dma_start3A_276 : memref<1x32xf32, #tpu.memory_space<hbm>> -> memref<32xf32, #tpu.memory_space<hbm>>
      %dma_start3A_278 = arith.constant 0 : i32
      %dma_start3A_279 = tpu.memref_slice %arg10[%add3A_271, %dma_start3A_278] : memref<512x128xf32, #tpu.memory_space<vmem>> -> memref<1x32xf32, #tpu.memory_space<vmem>>
      %dma_start3A_280 = tpu.memref_squeeze %dma_start3A_279 : memref<1x32xf32, #tpu.memory_space<vmem>> -> memref<32xf32, #tpu.memory_space<vmem>>
      %dma_start3A_281 = arith.constant 0 : i32
      %dma_start3A_282 = tpu.memref_slice %arg4[%squeeze3A_269, %dma_start3A_281] : memref<1000000x32xf32, #tpu.memory_space<hbm>> -> memref<1x32xf32, #tpu.memory_space<hbm>>
      %dma_start3A_283 = tpu.memref_squeeze %dma_start3A_282 : memref<1x32xf32, #tpu.memory_space<hbm>> -> memref<32xf32, #tpu.memory_space<hbm>>
      tpu.enqueue_dma source(%dma_start3A_283 : memref<32xf32, #tpu.memory_space<hbm>>) target(%dma_start3A_280 : memref<32xf32, #tpu.memory_space<vmem>>) target_semaphore(%arg11 : memref<!tpu.dma_semaphore, #tpu.memory_space<semaphore_mem>>)
    }
    %scan3A_7 = arith.constant 32 : i32
    %scan3A_8 = arith.constant 0 : i32
    %scan3A_9 = arith.constant 0 : i32
    %scan3A_10 = arith.constant 512 : i32
    %scan3A_11 = arith.addi %scan3A_9, %scan3A_10 : i32
    %scan3A_12 = arith.constant 1 : i32
    scf.for %scan3A_26 = %scan3A_9 to %scan3A_11 step %scan3A_12  : i32 {
      %dma_wait3A = arith.constant 0 : i32
      %dma_wait3A_27 = arith.constant 0 : i32
      %dma_wait3A_28 = tpu.memref_slice %arg10[%scan3A_26, %dma_wait3A_27] : memref<512x128xf32, #tpu.memory_space<vmem>> -> memref<1x32xf32, #tpu.memory_space<vmem>>
      %dma_wait3A_29 = tpu.memref_squeeze %dma_wait3A_28 : memref<1x32xf32, #tpu.memory_space<vmem>> -> memref<32xf32, #tpu.memory_space<vmem>>
      %dma_wait3A_30 = arith.constant 0 : i32
      %dma_wait3A_31 = tpu.memref_slice %arg4[%dma_wait3A, %dma_wait3A_30] : memref<1000000x32xf32, #tpu.memory_space<hbm>> -> memref<1x32xf32, #tpu.memory_space<hbm>>
      %dma_wait3A_32 = tpu.memref_squeeze %dma_wait3A_31 : memref<1x32xf32, #tpu.memory_space<hbm>> -> memref<32xf32, #tpu.memory_space<hbm>>
      %dma_wait3A_33 = arith.constant 0 : i32
      %dma_wait3A_34 = tpu.memref_slice %arg10[%scan3A_26, %dma_wait3A_33] : memref<512x128xf32, #tpu.memory_space<vmem>> -> memref<1x32xf32, #tpu.memory_space<vmem>>
      %dma_wait3A_35 = tpu.memref_squeeze %dma_wait3A_34 : memref<1x32xf32, #tpu.memory_space<vmem>> -> memref<32xf32, #tpu.memory_space<vmem>>
      %dma_wait3A_36 = arith.constant 0 : i32
      %dma_wait3A_37 = tpu.memref_slice %arg4[%dma_wait3A, %dma_wait3A_36] : memref<1000000x32xf32, #tpu.memory_space<hbm>> -> memref<1x32xf32, #tpu.memory_space<hbm>>
      %dma_wait3A_38 = tpu.memref_squeeze %dma_wait3A_37 : memref<1x32xf32, #tpu.memory_space<hbm>> -> memref<32xf32, #tpu.memory_space<hbm>>
      tpu.wait_dma2 semaphore(%arg11 : memref<!tpu.dma_semaphore, #tpu.memory_space<semaphore_mem>>) src(%dma_wait3A_38 : memref<32xf32, #tpu.memory_space<hbm>>) dst(%dma_wait3A_35 : memref<32xf32, #tpu.memory_space<vmem>>)
    }
    %scan3A_13 = arith.constant 512 : i32
    "tpu.region"() ({
      %run_scoped3A = tpu.sem_alloc : memref<!tpu.dma_semaphore, #tpu.memory_space<semaphore_mem>>
      %dma_start3A = arith.constant 0 : i32
      %dma_start3A_26 = tpu.memref_slice %arg6[%mul3A_2, %dma_start3A] : memref<16384x128xf32, #tpu.memory_space<hbm>> -> memref<512x128xf32, #tpu.memory_space<hbm>>
      %dma_start3A_27 = arith.constant 0 : i32
      %dma_start3A_28 = tpu.memref_slice %arg6[%mul3A_2, %dma_start3A_27] : memref<16384x128xf32, #tpu.memory_space<hbm>> -> memref<512x128xf32, #tpu.memory_space<hbm>>
      tpu.enqueue_dma source(%arg10 : memref<512x128xf32, #tpu.memory_space<vmem>>) target(%dma_start3A_28 : memref<512x128xf32, #tpu.memory_space<hbm>>) target_semaphore(%run_scoped3A : memref<!tpu.dma_semaphore, #tpu.memory_space<semaphore_mem>>)
      %dma_wait3A = arith.constant 0 : i32
      %dma_wait3A_29 = tpu.memref_slice %arg6[%mul3A_2, %dma_wait3A] : memref<16384x128xf32, #tpu.memory_space<hbm>> -> memref<512x128xf32, #tpu.memory_space<hbm>>
      %dma_wait3A_30 = arith.constant 0 : i32
      %dma_wait3A_31 = tpu.memref_slice %arg6[%mul3A_2, %dma_wait3A_30] : memref<16384x128xf32, #tpu.memory_space<hbm>> -> memref<512x128xf32, #tpu.memory_space<hbm>>
      tpu.wait_dma2 semaphore(%run_scoped3A : memref<!tpu.dma_semaphore, #tpu.memory_space<semaphore_mem>>) src(%arg10 : memref<512x128xf32, #tpu.memory_space<vmem>>) dst(%dma_wait3A_31 : memref<512x128xf32, #tpu.memory_space<hbm>>)
      tpu.yield
    }) : () -> ()
    %scan3A_14 = arith.constant 0 : i32
    %scan3A_15 = arith.constant 0 : i32
    %scan3A_16 = arith.constant 32 : i32
    %scan3A_17 = arith.addi %scan3A_15, %scan3A_16 : i32
    %scan3A_18 = arith.constant 1 : i32
    scf.for %scan3A_26 = %scan3A_15 to %scan3A_17 step %scan3A_18  : i32 {
      %mul3A_27 = arith.constant 16 : i32
      %mul3A_28 = arith.muli %scan3A_26, %mul3A_27 : i32
      %multiple_of3A = tpu.assume_multiple %mul3A_28, 16 : i32
      %get3A = arith.index_cast %multiple_of3A : i32 to index
      %get3A_29 = tpu.vector_load %arg9[%get3A] {strides = array<i32>} : memref<512xi32, #tpu.memory_space<vmem>>, vector<16xi32>,
      %get3A_30 = vector.shape_cast %get3A_29 : vector<16xi32> to vector<16xi32>
      %slice3A = vector.extract_strided_slice %get3A_30 {offsets = [0], sizes = [1], strides = [1]} : vector<16xi32> to vector<1xi32>
      %squeeze3A = vector.extract %slice3A[0] : i32 from vector<1xi32>
      %add3A_31 = arith.constant 0 : i32
      %add3A_32 = arith.addi %multiple_of3A, %add3A_31 : i32
      %dma_start3A = arith.constant 0 : i32
      %dma_start3A_33 = tpu.memref_slice %arg10[%add3A_32, %dma_start3A] : memref<512x128xf32, #tpu.memory_space<vmem>> -> memref<1x32xf32, #tpu.memory_space<vmem>>
      %dma_start3A_34 = tpu.memref_squeeze %dma_start3A_33 : memref<1x32xf32, #tpu.memory_space<vmem>> -> memref<32xf32, #tpu.memory_space<vmem>>
      %dma_start3A_35 = arith.constant 0 : i32
      %dma_start3A_36 = tpu.memref_slice %arg5[%squeeze3A, %dma_start3A_35] : memref<100000x32xf32, #tpu.memory_space<hbm>> -> memref<1x32xf32, #tpu.memory_space<hbm>>
      %dma_start3A_37 = tpu.memref_squeeze %dma_start3A_36 : memref<1x32xf32, #tpu.memory_space<hbm>> -> memref<32xf32, #tpu.memory_space<hbm>>
      %dma_start3A_38 = arith.constant 0 : i32
      %dma_start3A_39 = tpu.memref_slice %arg10[%add3A_32, %dma_start3A_38] : memref<512x128xf32, #tpu.memory_space<vmem>> -> memref<1x32xf32, #tpu.memory_space<vmem>>
      %dma_start3A_40 = tpu.memref_squeeze %dma_start3A_39 : memref<1x32xf32, #tpu.memory_space<vmem>> -> memref<32xf32, #tpu.memory_space<vmem>>
      %dma_start3A_41 = arith.constant 0 : i32
      %dma_start3A_42 = tpu.memref_slice %arg5[%squeeze3A, %dma_start3A_41] : memref<100000x32xf32, #tpu.memory_space<hbm>> -> memref<1x32xf32, #tpu.memory_space<hbm>>
      %dma_start3A_43 = tpu.memref_squeeze %dma_start3A_42 : memref<1x32xf32, #tpu.memory_space<hbm>> -> memref<32xf32, #tpu.memory_space<hbm>>
      tpu.enqueue_dma source(%dma_start3A_43 : memref<32xf32, #tpu.memory_space<hbm>>) target(%dma_start3A_40 : memref<32xf32, #tpu.memory_space<vmem>>) target_semaphore(%arg11 : memref<!tpu.dma_semaphore, #tpu.memory_space<semaphore_mem>>)
      %slice3A_44 = vector.extract_strided_slice %get3A_30 {offsets = [1], sizes = [1], strides = [1]} : vector<16xi32> to vector<1xi32>
      %squeeze3A_45 = vector.extract %slice3A_44[0] : i32 from vector<1xi32>
      %add3A_46 = arith.constant 1 : i32
      %add3A_47 = arith.addi %multiple_of3A, %add3A_46 : i32
      %dma_start3A_48 = arith.constant 0 : i32
      %dma_start3A_49 = tpu.memref_slice %arg10[%add3A_47, %dma_start3A_48] : memref<512x128xf32, #tpu.memory_space<vmem>> -> memref<1x32xf32, #tpu.memory_space<vmem>>
      %dma_start3A_50 = tpu.memref_squeeze %dma_start3A_49 : memref<1x32xf32, #tpu.memory_space<vmem>> -> memref<32xf32, #tpu.memory_space<vmem>>
      %dma_start3A_51 = arith.constant 0 : i32
      %dma_start3A_52 = tpu.memref_slice %arg5[%squeeze3A_45, %dma_start3A_51] : memref<100000x32xf32, #tpu.memory_space<hbm>> -> memref<1x32xf32, #tpu.memory_space<hbm>>
      %dma_start3A_53 = tpu.memref_squeeze %dma_start3A_52 : memref<1x32xf32, #tpu.memory_space<hbm>> -> memref<32xf32, #tpu.memory_space<hbm>>
      %dma_start3A_54 = arith.constant 0 : i32
      %dma_start3A_55 = tpu.memref_slice %arg10[%add3A_47, %dma_start3A_54] : memref<512x128xf32, #tpu.memory_space<vmem>> -> memref<1x32xf32, #tpu.memory_space<vmem>>
      %dma_start3A_56 = tpu.memref_squeeze %dma_start3A_55 : memref<1x32xf32, #tpu.memory_space<vmem>> -> memref<32xf32, #tpu.memory_space<vmem>>
      %dma_start3A_57 = arith.constant 0 : i32
      %dma_start3A_58 = tpu.memref_slice %arg5[%squeeze3A_45, %dma_start3A_57] : memref<100000x32xf32, #tpu.memory_space<hbm>> -> memref<1x32xf32, #tpu.memory_space<hbm>>
      %dma_start3A_59 = tpu.memref_squeeze %dma_start3A_58 : memref<1x32xf32, #tpu.memory_space<hbm>> -> memref<32xf32, #tpu.memory_space<hbm>>
      tpu.enqueue_dma source(%dma_start3A_59 : memref<32xf32, #tpu.memory_space<hbm>>) target(%dma_start3A_56 : memref<32xf32, #tpu.memory_space<vmem>>) target_semaphore(%arg11 : memref<!tpu.dma_semaphore, #tpu.memory_space<semaphore_mem>>)
      %slice3A_60 = vector.extract_strided_slice %get3A_30 {offsets = [2], sizes = [1], strides = [1]} : vector<16xi32> to vector<1xi32>
      %squeeze3A_61 = vector.extract %slice3A_60[0] : i32 from vector<1xi32>
      %add3A_62 = arith.constant 2 : i32
      %add3A_63 = arith.addi %multiple_of3A, %add3A_62 : i32
      %dma_start3A_64 = arith.constant 0 : i32
      %dma_start3A_65 = tpu.memref_slice %arg10[%add3A_63, %dma_start3A_64] : memref<512x128xf32, #tpu.memory_space<vmem>> -> memref<1x32xf32, #tpu.memory_space<vmem>>
      %dma_start3A_66 = tpu.memref_squeeze %dma_start3A_65 : memref<1x32xf32, #tpu.memory_space<vmem>> -> memref<32xf32, #tpu.memory_space<vmem>>
      %dma_start3A_67 = arith.constant 0 : i32
      %dma_start3A_68 = tpu.memref_slice %arg5[%squeeze3A_61, %dma_start3A_67] : memref<100000x32xf32, #tpu.memory_space<hbm>> -> memref<1x32xf32, #tpu.memory_space<hbm>>
      %dma_start3A_69 = tpu.memref_squeeze %dma_start3A_68 : memref<1x32xf32, #tpu.memory_space<hbm>> -> memref<32xf32, #tpu.memory_space<hbm>>
      %dma_start3A_70 = arith.constant 0 : i32
      %dma_start3A_71 = tpu.memref_slice %arg10[%add3A_63, %dma_start3A_70] : memref<512x128xf32, #tpu.memory_space<vmem>> -> memref<1x32xf32, #tpu.memory_space<vmem>>
      %dma_start3A_72 = tpu.memref_squeeze %dma_start3A_71 : memref<1x32xf32, #tpu.memory_space<vmem>> -> memref<32xf32, #tpu.memory_space<vmem>>
      %dma_start3A_73 = arith.constant 0 : i32
      %dma_start3A_74 = tpu.memref_slice %arg5[%squeeze3A_61, %dma_start3A_73] : memref<100000x32xf32, #tpu.memory_space<hbm>> -> memref<1x32xf32, #tpu.memory_space<hbm>>
      %dma_start3A_75 = tpu.memref_squeeze %dma_start3A_74 : memref<1x32xf32, #tpu.memory_space<hbm>> -> memref<32xf32, #tpu.memory_space<hbm>>
      tpu.enqueue_dma source(%dma_start3A_75 : memref<32xf32, #tpu.memory_space<hbm>>) target(%dma_start3A_72 : memref<32xf32, #tpu.memory_space<vmem>>) target_semaphore(%arg11 : memref<!tpu.dma_semaphore, #tpu.memory_space<semaphore_mem>>)
      %slice3A_76 = vector.extract_strided_slice %get3A_30 {offsets = [3], sizes = [1], strides = [1]} : vector<16xi32> to vector<1xi32>
      %squeeze3A_77 = vector.extract %slice3A_76[0] : i32 from vector<1xi32>
      %add3A_78 = arith.constant 3 : i32
      %add3A_79 = arith.addi %multiple_of3A, %add3A_78 : i32
      %dma_start3A_80 = arith.constant 0 : i32
      %dma_start3A_81 = tpu.memref_slice %arg10[%add3A_79, %dma_start3A_80] : memref<512x128xf32, #tpu.memory_space<vmem>> -> memref<1x32xf32, #tpu.memory_space<vmem>>
      %dma_start3A_82 = tpu.memref_squeeze %dma_start3A_81 : memref<1x32xf32, #tpu.memory_space<vmem>> -> memref<32xf32, #tpu.memory_space<vmem>>
      %dma_start3A_83 = arith.constant 0 : i32
      %dma_start3A_84 = tpu.memref_slice %arg5[%squeeze3A_77, %dma_start3A_83] : memref<100000x32xf32, #tpu.memory_space<hbm>> -> memref<1x32xf32, #tpu.memory_space<hbm>>
      %dma_start3A_85 = tpu.memref_squeeze %dma_start3A_84 : memref<1x32xf32, #tpu.memory_space<hbm>> -> memref<32xf32, #tpu.memory_space<hbm>>
      %dma_start3A_86 = arith.constant 0 : i32
      %dma_start3A_87 = tpu.memref_slice %arg10[%add3A_79, %dma_start3A_86] : memref<512x128xf32, #tpu.memory_space<vmem>> -> memref<1x32xf32, #tpu.memory_space<vmem>>
      %dma_start3A_88 = tpu.memref_squeeze %dma_start3A_87 : memref<1x32xf32, #tpu.memory_space<vmem>> -> memref<32xf32, #tpu.memory_space<vmem>>
      %dma_start3A_89 = arith.constant 0 : i32
      %dma_start3A_90 = tpu.memref_slice %arg5[%squeeze3A_77, %dma_start3A_89] : memref<100000x32xf32, #tpu.memory_space<hbm>> -> memref<1x32xf32, #tpu.memory_space<hbm>>
      %dma_start3A_91 = tpu.memref_squeeze %dma_start3A_90 : memref<1x32xf32, #tpu.memory_space<hbm>> -> memref<32xf32, #tpu.memory_space<hbm>>
      tpu.enqueue_dma source(%dma_start3A_91 : memref<32xf32, #tpu.memory_space<hbm>>) target(%dma_start3A_88 : memref<32xf32, #tpu.memory_space<vmem>>) target_semaphore(%arg11 : memref<!tpu.dma_semaphore, #tpu.memory_space<semaphore_mem>>)
      %slice3A_92 = vector.extract_strided_slice %get3A_30 {offsets = [4], sizes = [1], strides = [1]} : vector<16xi32> to vector<1xi32>
      %squeeze3A_93 = vector.extract %slice3A_92[0] : i32 from vector<1xi32>
      %add3A_94 = arith.constant 4 : i32
      %add3A_95 = arith.addi %multiple_of3A, %add3A_94 : i32
      %dma_start3A_96 = arith.constant 0 : i32
      %dma_start3A_97 = tpu.memref_slice %arg10[%add3A_95, %dma_start3A_96] : memref<512x128xf32, #tpu.memory_space<vmem>> -> memref<1x32xf32, #tpu.memory_space<vmem>>
      %dma_start3A_98 = tpu.memref_squeeze %dma_start3A_97 : memref<1x32xf32, #tpu.memory_space<vmem>> -> memref<32xf32, #tpu.memory_space<vmem>>
      %dma_start3A_99 = arith.constant 0 : i32
      %dma_start3A_100 = tpu.memref_slice %arg5[%squeeze3A_93, %dma_start3A_99] : memref<100000x32xf32, #tpu.memory_space<hbm>> -> memref<1x32xf32, #tpu.memory_space<hbm>>
      %dma_start3A_101 = tpu.memref_squeeze %dma_start3A_100 : memref<1x32xf32, #tpu.memory_space<hbm>> -> memref<32xf32, #tpu.memory_space<hbm>>
      %dma_start3A_102 = arith.constant 0 : i32
      %dma_start3A_103 = tpu.memref_slice %arg10[%add3A_95, %dma_start3A_102] : memref<512x128xf32, #tpu.memory_space<vmem>> -> memref<1x32xf32, #tpu.memory_space<vmem>>
      %dma_start3A_104 = tpu.memref_squeeze %dma_start3A_103 : memref<1x32xf32, #tpu.memory_space<vmem>> -> memref<32xf32, #tpu.memory_space<vmem>>
      %dma_start3A_105 = arith.constant 0 : i32
      %dma_start3A_106 = tpu.memref_slice %arg5[%squeeze3A_93, %dma_start3A_105] : memref<100000x32xf32, #tpu.memory_space<hbm>> -> memref<1x32xf32, #tpu.memory_space<hbm>>
      %dma_start3A_107 = tpu.memref_squeeze %dma_start3A_106 : memref<1x32xf32, #tpu.memory_space<hbm>> -> memref<32xf32, #tpu.memory_space<hbm>>
      tpu.enqueue_dma source(%dma_start3A_107 : memref<32xf32, #tpu.memory_space<hbm>>) target(%dma_start3A_104 : memref<32xf32, #tpu.memory_space<vmem>>) target_semaphore(%arg11 : memref<!tpu.dma_semaphore, #tpu.memory_space<semaphore_mem>>)
      %slice3A_108 = vector.extract_strided_slice %get3A_30 {offsets = [5], sizes = [1], strides = [1]} : vector<16xi32> to vector<1xi32>
      %squeeze3A_109 = vector.extract %slice3A_108[0] : i32 from vector<1xi32>
      %add3A_110 = arith.constant 5 : i32
      %add3A_111 = arith.addi %multiple_of3A, %add3A_110 : i32
      %dma_start3A_112 = arith.constant 0 : i32
      %dma_start3A_113 = tpu.memref_slice %arg10[%add3A_111, %dma_start3A_112] : memref<512x128xf32, #tpu.memory_space<vmem>> -> memref<1x32xf32, #tpu.memory_space<vmem>>
      %dma_start3A_114 = tpu.memref_squeeze %dma_start3A_113 : memref<1x32xf32, #tpu.memory_space<vmem>> -> memref<32xf32, #tpu.memory_space<vmem>>
      %dma_start3A_115 = arith.constant 0 : i32
      %dma_start3A_116 = tpu.memref_slice %arg5[%squeeze3A_109, %dma_start3A_115] : memref<100000x32xf32, #tpu.memory_space<hbm>> -> memref<1x32xf32, #tpu.memory_space<hbm>>
      %dma_start3A_117 = tpu.memref_squeeze %dma_start3A_116 : memref<1x32xf32, #tpu.memory_space<hbm>> -> memref<32xf32, #tpu.memory_space<hbm>>
      %dma_start3A_118 = arith.constant 0 : i32
      %dma_start3A_119 = tpu.memref_slice %arg10[%add3A_111, %dma_start3A_118] : memref<512x128xf32, #tpu.memory_space<vmem>> -> memref<1x32xf32, #tpu.memory_space<vmem>>
      %dma_start3A_120 = tpu.memref_squeeze %dma_start3A_119 : memref<1x32xf32, #tpu.memory_space<vmem>> -> memref<32xf32, #tpu.memory_space<vmem>>
      %dma_start3A_121 = arith.constant 0 : i32
      %dma_start3A_122 = tpu.memref_slice %arg5[%squeeze3A_109, %dma_start3A_121] : memref<100000x32xf32, #tpu.memory_space<hbm>> -> memref<1x32xf32, #tpu.memory_space<hbm>>
      %dma_start3A_123 = tpu.memref_squeeze %dma_start3A_122 : memref<1x32xf32, #tpu.memory_space<hbm>> -> memref<32xf32, #tpu.memory_space<hbm>>
      tpu.enqueue_dma source(%dma_start3A_123 : memref<32xf32, #tpu.memory_space<hbm>>) target(%dma_start3A_120 : memref<32xf32, #tpu.memory_space<vmem>>) target_semaphore(%arg11 : memref<!tpu.dma_semaphore, #tpu.memory_space<semaphore_mem>>)
      %slice3A_124 = vector.extract_strided_slice %get3A_30 {offsets = [6], sizes = [1], strides = [1]} : vector<16xi32> to vector<1xi32>
      %squeeze3A_125 = vector.extract %slice3A_124[0] : i32 from vector<1xi32>
      %add3A_126 = arith.constant 6 : i32
      %add3A_127 = arith.addi %multiple_of3A, %add3A_126 : i32
      %dma_start3A_128 = arith.constant 0 : i32
      %dma_start3A_129 = tpu.memref_slice %arg10[%add3A_127, %dma_start3A_128] : memref<512x128xf32, #tpu.memory_space<vmem>> -> memref<1x32xf32, #tpu.memory_space<vmem>>
      %dma_start3A_130 = tpu.memref_squeeze %dma_start3A_129 : memref<1x32xf32, #tpu.memory_space<vmem>> -> memref<32xf32, #tpu.memory_space<vmem>>
      %dma_start3A_131 = arith.constant 0 : i32
      %dma_start3A_132 = tpu.memref_slice %arg5[%squeeze3A_125, %dma_start3A_131] : memref<100000x32xf32, #tpu.memory_space<hbm>> -> memref<1x32xf32, #tpu.memory_space<hbm>>
      %dma_start3A_133 = tpu.memref_squeeze %dma_start3A_132 : memref<1x32xf32, #tpu.memory_space<hbm>> -> memref<32xf32, #tpu.memory_space<hbm>>
      %dma_start3A_134 = arith.constant 0 : i32
      %dma_start3A_135 = tpu.memref_slice %arg10[%add3A_127, %dma_start3A_134] : memref<512x128xf32, #tpu.memory_space<vmem>> -> memref<1x32xf32, #tpu.memory_space<vmem>>
      %dma_start3A_136 = tpu.memref_squeeze %dma_start3A_135 : memref<1x32xf32, #tpu.memory_space<vmem>> -> memref<32xf32, #tpu.memory_space<vmem>>
      %dma_start3A_137 = arith.constant 0 : i32
      %dma_start3A_138 = tpu.memref_slice %arg5[%squeeze3A_125, %dma_start3A_137] : memref<100000x32xf32, #tpu.memory_space<hbm>> -> memref<1x32xf32, #tpu.memory_space<hbm>>
      %dma_start3A_139 = tpu.memref_squeeze %dma_start3A_138 : memref<1x32xf32, #tpu.memory_space<hbm>> -> memref<32xf32, #tpu.memory_space<hbm>>
      tpu.enqueue_dma source(%dma_start3A_139 : memref<32xf32, #tpu.memory_space<hbm>>) target(%dma_start3A_136 : memref<32xf32, #tpu.memory_space<vmem>>) target_semaphore(%arg11 : memref<!tpu.dma_semaphore, #tpu.memory_space<semaphore_mem>>)
      %slice3A_140 = vector.extract_strided_slice %get3A_30 {offsets = [7], sizes = [1], strides = [1]} : vector<16xi32> to vector<1xi32>
      %squeeze3A_141 = vector.extract %slice3A_140[0] : i32 from vector<1xi32>
      %add3A_142 = arith.constant 7 : i32
      %add3A_143 = arith.addi %multiple_of3A, %add3A_142 : i32
      %dma_start3A_144 = arith.constant 0 : i32
      %dma_start3A_145 = tpu.memref_slice %arg10[%add3A_143, %dma_start3A_144] : memref<512x128xf32, #tpu.memory_space<vmem>> -> memref<1x32xf32, #tpu.memory_space<vmem>>
      %dma_start3A_146 = tpu.memref_squeeze %dma_start3A_145 : memref<1x32xf32, #tpu.memory_space<vmem>> -> memref<32xf32, #tpu.memory_space<vmem>>
      %dma_start3A_147 = arith.constant 0 : i32
      %dma_start3A_148 = tpu.memref_slice %arg5[%squeeze3A_141, %dma_start3A_147] : memref<100000x32xf32, #tpu.memory_space<hbm>> -> memref<1x32xf32, #tpu.memory_space<hbm>>
      %dma_start3A_149 = tpu.memref_squeeze %dma_start3A_148 : memref<1x32xf32, #tpu.memory_space<hbm>> -> memref<32xf32, #tpu.memory_space<hbm>>
      %dma_start3A_150 = arith.constant 0 : i32
      %dma_start3A_151 = tpu.memref_slice %arg10[%add3A_143, %dma_start3A_150] : memref<512x128xf32, #tpu.memory_space<vmem>> -> memref<1x32xf32, #tpu.memory_space<vmem>>
      %dma_start3A_152 = tpu.memref_squeeze %dma_start3A_151 : memref<1x32xf32, #tpu.memory_space<vmem>> -> memref<32xf32, #tpu.memory_space<vmem>>
      %dma_start3A_153 = arith.constant 0 : i32
      %dma_start3A_154 = tpu.memref_slice %arg5[%squeeze3A_141, %dma_start3A_153] : memref<100000x32xf32, #tpu.memory_space<hbm>> -> memref<1x32xf32, #tpu.memory_space<hbm>>
      %dma_start3A_155 = tpu.memref_squeeze %dma_start3A_154 : memref<1x32xf32, #tpu.memory_space<hbm>> -> memref<32xf32, #tpu.memory_space<hbm>>
      tpu.enqueue_dma source(%dma_start3A_155 : memref<32xf32, #tpu.memory_space<hbm>>) target(%dma_start3A_152 : memref<32xf32, #tpu.memory_space<vmem>>) target_semaphore(%arg11 : memref<!tpu.dma_semaphore, #tpu.memory_space<semaphore_mem>>)
      %slice3A_156 = vector.extract_strided_slice %get3A_30 {offsets = [8], sizes = [1], strides = [1]} : vector<16xi32> to vector<1xi32>
      %squeeze3A_157 = vector.extract %slice3A_156[0] : i32 from vector<1xi32>
      %add3A_158 = arith.constant 8 : i32
      %add3A_159 = arith.addi %multiple_of3A, %add3A_158 : i32
      %dma_start3A_160 = arith.constant 0 : i32
      %dma_start3A_161 = tpu.memref_slice %arg10[%add3A_159, %dma_start3A_160] : memref<512x128xf32, #tpu.memory_space<vmem>> -> memref<1x32xf32, #tpu.memory_space<vmem>>
      %dma_start3A_162 = tpu.memref_squeeze %dma_start3A_161 : memref<1x32xf32, #tpu.memory_space<vmem>> -> memref<32xf32, #tpu.memory_space<vmem>>
      %dma_start3A_163 = arith.constant 0 : i32
      %dma_start3A_164 = tpu.memref_slice %arg5[%squeeze3A_157, %dma_start3A_163] : memref<100000x32xf32, #tpu.memory_space<hbm>> -> memref<1x32xf32, #tpu.memory_space<hbm>>
      %dma_start3A_165 = tpu.memref_squeeze %dma_start3A_164 : memref<1x32xf32, #tpu.memory_space<hbm>> -> memref<32xf32, #tpu.memory_space<hbm>>
      %dma_start3A_166 = arith.constant 0 : i32
      %dma_start3A_167 = tpu.memref_slice %arg10[%add3A_159, %dma_start3A_166] : memref<512x128xf32, #tpu.memory_space<vmem>> -> memref<1x32xf32, #tpu.memory_space<vmem>>
      %dma_start3A_168 = tpu.memref_squeeze %dma_start3A_167 : memref<1x32xf32, #tpu.memory_space<vmem>> -> memref<32xf32, #tpu.memory_space<vmem>>
      %dma_start3A_169 = arith.constant 0 : i32
      %dma_start3A_170 = tpu.memref_slice %arg5[%squeeze3A_157, %dma_start3A_169] : memref<100000x32xf32, #tpu.memory_space<hbm>> -> memref<1x32xf32, #tpu.memory_space<hbm>>
      %dma_start3A_171 = tpu.memref_squeeze %dma_start3A_170 : memref<1x32xf32, #tpu.memory_space<hbm>> -> memref<32xf32, #tpu.memory_space<hbm>>
      tpu.enqueue_dma source(%dma_start3A_171 : memref<32xf32, #tpu.memory_space<hbm>>) target(%dma_start3A_168 : memref<32xf32, #tpu.memory_space<vmem>>) target_semaphore(%arg11 : memref<!tpu.dma_semaphore, #tpu.memory_space<semaphore_mem>>)
      %slice3A_172 = vector.extract_strided_slice %get3A_30 {offsets = [9], sizes = [1], strides = [1]} : vector<16xi32> to vector<1xi32>
      %squeeze3A_173 = vector.extract %slice3A_172[0] : i32 from vector<1xi32>
      %add3A_174 = arith.constant 9 : i32
      %add3A_175 = arith.addi %multiple_of3A, %add3A_174 : i32
      %dma_start3A_176 = arith.constant 0 : i32
      %dma_start3A_177 = tpu.memref_slice %arg10[%add3A_175, %dma_start3A_176] : memref<512x128xf32, #tpu.memory_space<vmem>> -> memref<1x32xf32, #tpu.memory_space<vmem>>
      %dma_start3A_178 = tpu.memref_squeeze %dma_start3A_177 : memref<1x32xf32, #tpu.memory_space<vmem>> -> memref<32xf32, #tpu.memory_space<vmem>>
      %dma_start3A_179 = arith.constant 0 : i32
      %dma_start3A_180 = tpu.memref_slice %arg5[%squeeze3A_173, %dma_start3A_179] : memref<100000x32xf32, #tpu.memory_space<hbm>> -> memref<1x32xf32, #tpu.memory_space<hbm>>
      %dma_start3A_181 = tpu.memref_squeeze %dma_start3A_180 : memref<1x32xf32, #tpu.memory_space<hbm>> -> memref<32xf32, #tpu.memory_space<hbm>>
      %dma_start3A_182 = arith.constant 0 : i32
      %dma_start3A_183 = tpu.memref_slice %arg10[%add3A_175, %dma_start3A_182] : memref<512x128xf32, #tpu.memory_space<vmem>> -> memref<1x32xf32, #tpu.memory_space<vmem>>
      %dma_start3A_184 = tpu.memref_squeeze %dma_start3A_183 : memref<1x32xf32, #tpu.memory_space<vmem>> -> memref<32xf32, #tpu.memory_space<vmem>>
      %dma_start3A_185 = arith.constant 0 : i32
      %dma_start3A_186 = tpu.memref_slice %arg5[%squeeze3A_173, %dma_start3A_185] : memref<100000x32xf32, #tpu.memory_space<hbm>> -> memref<1x32xf32, #tpu.memory_space<hbm>>
      %dma_start3A_187 = tpu.memref_squeeze %dma_start3A_186 : memref<1x32xf32, #tpu.memory_space<hbm>> -> memref<32xf32, #tpu.memory_space<hbm>>
      tpu.enqueue_dma source(%dma_start3A_187 : memref<32xf32, #tpu.memory_space<hbm>>) target(%dma_start3A_184 : memref<32xf32, #tpu.memory_space<vmem>>) target_semaphore(%arg11 : memref<!tpu.dma_semaphore, #tpu.memory_space<semaphore_mem>>)
      %slice3A_188 = vector.extract_strided_slice %get3A_30 {offsets = [10], sizes = [1], strides = [1]} : vector<16xi32> to vector<1xi32>
      %squeeze3A_189 = vector.extract %slice3A_188[0] : i32 from vector<1xi32>
      %add3A_190 = arith.constant 10 : i32
      %add3A_191 = arith.addi %multiple_of3A, %add3A_190 : i32
      %dma_start3A_192 = arith.constant 0 : i32
      %dma_start3A_193 = tpu.memref_slice %arg10[%add3A_191, %dma_start3A_192] : memref<512x128xf32, #tpu.memory_space<vmem>> -> memref<1x32xf32, #tpu.memory_space<vmem>>
      %dma_start3A_194 = tpu.memref_squeeze %dma_start3A_193 : memref<1x32xf32, #tpu.memory_space<vmem>> -> memref<32xf32, #tpu.memory_space<vmem>>
      %dma_start3A_195 = arith.constant 0 : i32
      %dma_start3A_196 = tpu.memref_slice %arg5[%squeeze3A_189, %dma_start3A_195] : memref<100000x32xf32, #tpu.memory_space<hbm>> -> memref<1x32xf32, #tpu.memory_space<hbm>>
      %dma_start3A_197 = tpu.memref_squeeze %dma_start3A_196 : memref<1x32xf32, #tpu.memory_space<hbm>> -> memref<32xf32, #tpu.memory_space<hbm>>
      %dma_start3A_198 = arith.constant 0 : i32
      %dma_start3A_199 = tpu.memref_slice %arg10[%add3A_191, %dma_start3A_198] : memref<512x128xf32, #tpu.memory_space<vmem>> -> memref<1x32xf32, #tpu.memory_space<vmem>>
      %dma_start3A_200 = tpu.memref_squeeze %dma_start3A_199 : memref<1x32xf32, #tpu.memory_space<vmem>> -> memref<32xf32, #tpu.memory_space<vmem>>
      %dma_start3A_201 = arith.constant 0 : i32
      %dma_start3A_202 = tpu.memref_slice %arg5[%squeeze3A_189, %dma_start3A_201] : memref<100000x32xf32, #tpu.memory_space<hbm>> -> memref<1x32xf32, #tpu.memory_space<hbm>>
      %dma_start3A_203 = tpu.memref_squeeze %dma_start3A_202 : memref<1x32xf32, #tpu.memory_space<hbm>> -> memref<32xf32, #tpu.memory_space<hbm>>
      tpu.enqueue_dma source(%dma_start3A_203 : memref<32xf32, #tpu.memory_space<hbm>>) target(%dma_start3A_200 : memref<32xf32, #tpu.memory_space<vmem>>) target_semaphore(%arg11 : memref<!tpu.dma_semaphore, #tpu.memory_space<semaphore_mem>>)
      %slice3A_204 = vector.extract_strided_slice %get3A_30 {offsets = [11], sizes = [1], strides = [1]} : vector<16xi32> to vector<1xi32>
      %squeeze3A_205 = vector.extract %slice3A_204[0] : i32 from vector<1xi32>
      %add3A_206 = arith.constant 11 : i32
      %add3A_207 = arith.addi %multiple_of3A, %add3A_206 : i32
      %dma_start3A_208 = arith.constant 0 : i32
      %dma_start3A_209 = tpu.memref_slice %arg10[%add3A_207, %dma_start3A_208] : memref<512x128xf32, #tpu.memory_space<vmem>> -> memref<1x32xf32, #tpu.memory_space<vmem>>
      %dma_start3A_210 = tpu.memref_squeeze %dma_start3A_209 : memref<1x32xf32, #tpu.memory_space<vmem>> -> memref<32xf32, #tpu.memory_space<vmem>>
      %dma_start3A_211 = arith.constant 0 : i32
      %dma_start3A_212 = tpu.memref_slice %arg5[%squeeze3A_205, %dma_start3A_211] : memref<100000x32xf32, #tpu.memory_space<hbm>> -> memref<1x32xf32, #tpu.memory_space<hbm>>
      %dma_start3A_213 = tpu.memref_squeeze %dma_start3A_212 : memref<1x32xf32, #tpu.memory_space<hbm>> -> memref<32xf32, #tpu.memory_space<hbm>>
      %dma_start3A_214 = arith.constant 0 : i32
      %dma_start3A_215 = tpu.memref_slice %arg10[%add3A_207, %dma_start3A_214] : memref<512x128xf32, #tpu.memory_space<vmem>> -> memref<1x32xf32, #tpu.memory_space<vmem>>
      %dma_start3A_216 = tpu.memref_squeeze %dma_start3A_215 : memref<1x32xf32, #tpu.memory_space<vmem>> -> memref<32xf32, #tpu.memory_space<vmem>>
      %dma_start3A_217 = arith.constant 0 : i32
      %dma_start3A_218 = tpu.memref_slice %arg5[%squeeze3A_205, %dma_start3A_217] : memref<100000x32xf32, #tpu.memory_space<hbm>> -> memref<1x32xf32, #tpu.memory_space<hbm>>
      %dma_start3A_219 = tpu.memref_squeeze %dma_start3A_218 : memref<1x32xf32, #tpu.memory_space<hbm>> -> memref<32xf32, #tpu.memory_space<hbm>>
      tpu.enqueue_dma source(%dma_start3A_219 : memref<32xf32, #tpu.memory_space<hbm>>) target(%dma_start3A_216 : memref<32xf32, #tpu.memory_space<vmem>>) target_semaphore(%arg11 : memref<!tpu.dma_semaphore, #tpu.memory_space<semaphore_mem>>)
      %slice3A_220 = vector.extract_strided_slice %get3A_30 {offsets = [12], sizes = [1], strides = [1]} : vector<16xi32> to vector<1xi32>
      %squeeze3A_221 = vector.extract %slice3A_220[0] : i32 from vector<1xi32>
      %add3A_222 = arith.constant 12 : i32
      %add3A_223 = arith.addi %multiple_of3A, %add3A_222 : i32
      %dma_start3A_224 = arith.constant 0 : i32
      %dma_start3A_225 = tpu.memref_slice %arg10[%add3A_223, %dma_start3A_224] : memref<512x128xf32, #tpu.memory_space<vmem>> -> memref<1x32xf32, #tpu.memory_space<vmem>>
      %dma_start3A_226 = tpu.memref_squeeze %dma_start3A_225 : memref<1x32xf32, #tpu.memory_space<vmem>> -> memref<32xf32, #tpu.memory_space<vmem>>
      %dma_start3A_227 = arith.constant 0 : i32
      %dma_start3A_228 = tpu.memref_slice %arg5[%squeeze3A_221, %dma_start3A_227] : memref<100000x32xf32, #tpu.memory_space<hbm>> -> memref<1x32xf32, #tpu.memory_space<hbm>>
      %dma_start3A_229 = tpu.memref_squeeze %dma_start3A_228 : memref<1x32xf32, #tpu.memory_space<hbm>> -> memref<32xf32, #tpu.memory_space<hbm>>
      %dma_start3A_230 = arith.constant 0 : i32
      %dma_start3A_231 = tpu.memref_slice %arg10[%add3A_223, %dma_start3A_230] : memref<512x128xf32, #tpu.memory_space<vmem>> -> memref<1x32xf32, #tpu.memory_space<vmem>>
      %dma_start3A_232 = tpu.memref_squeeze %dma_start3A_231 : memref<1x32xf32, #tpu.memory_space<vmem>> -> memref<32xf32, #tpu.memory_space<vmem>>
      %dma_start3A_233 = arith.constant 0 : i32
      %dma_start3A_234 = tpu.memref_slice %arg5[%squeeze3A_221, %dma_start3A_233] : memref<100000x32xf32, #tpu.memory_space<hbm>> -> memref<1x32xf32, #tpu.memory_space<hbm>>
      %dma_start3A_235 = tpu.memref_squeeze %dma_start3A_234 : memref<1x32xf32, #tpu.memory_space<hbm>> -> memref<32xf32, #tpu.memory_space<hbm>>
      tpu.enqueue_dma source(%dma_start3A_235 : memref<32xf32, #tpu.memory_space<hbm>>) target(%dma_start3A_232 : memref<32xf32, #tpu.memory_space<vmem>>) target_semaphore(%arg11 : memref<!tpu.dma_semaphore, #tpu.memory_space<semaphore_mem>>)
      %slice3A_236 = vector.extract_strided_slice %get3A_30 {offsets = [13], sizes = [1], strides = [1]} : vector<16xi32> to vector<1xi32>
      %squeeze3A_237 = vector.extract %slice3A_236[0] : i32 from vector<1xi32>
      %add3A_238 = arith.constant 13 : i32
      %add3A_239 = arith.addi %multiple_of3A, %add3A_238 : i32
      %dma_start3A_240 = arith.constant 0 : i32
      %dma_start3A_241 = tpu.memref_slice %arg10[%add3A_239, %dma_start3A_240] : memref<512x128xf32, #tpu.memory_space<vmem>> -> memref<1x32xf32, #tpu.memory_space<vmem>>
      %dma_start3A_242 = tpu.memref_squeeze %dma_start3A_241 : memref<1x32xf32, #tpu.memory_space<vmem>> -> memref<32xf32, #tpu.memory_space<vmem>>
      %dma_start3A_243 = arith.constant 0 : i32
      %dma_start3A_244 = tpu.memref_slice %arg5[%squeeze3A_237, %dma_start3A_243] : memref<100000x32xf32, #tpu.memory_space<hbm>> -> memref<1x32xf32, #tpu.memory_space<hbm>>
      %dma_start3A_245 = tpu.memref_squeeze %dma_start3A_244 : memref<1x32xf32, #tpu.memory_space<hbm>> -> memref<32xf32, #tpu.memory_space<hbm>>
      %dma_start3A_246 = arith.constant 0 : i32
      %dma_start3A_247 = tpu.memref_slice %arg10[%add3A_239, %dma_start3A_246] : memref<512x128xf32, #tpu.memory_space<vmem>> -> memref<1x32xf32, #tpu.memory_space<vmem>>
      %dma_start3A_248 = tpu.memref_squeeze %dma_start3A_247 : memref<1x32xf32, #tpu.memory_space<vmem>> -> memref<32xf32, #tpu.memory_space<vmem>>
      %dma_start3A_249 = arith.constant 0 : i32
      %dma_start3A_250 = tpu.memref_slice %arg5[%squeeze3A_237, %dma_start3A_249] : memref<100000x32xf32, #tpu.memory_space<hbm>> -> memref<1x32xf32, #tpu.memory_space<hbm>>
      %dma_start3A_251 = tpu.memref_squeeze %dma_start3A_250 : memref<1x32xf32, #tpu.memory_space<hbm>> -> memref<32xf32, #tpu.memory_space<hbm>>
      tpu.enqueue_dma source(%dma_start3A_251 : memref<32xf32, #tpu.memory_space<hbm>>) target(%dma_start3A_248 : memref<32xf32, #tpu.memory_space<vmem>>) target_semaphore(%arg11 : memref<!tpu.dma_semaphore, #tpu.memory_space<semaphore_mem>>)
      %slice3A_252 = vector.extract_strided_slice %get3A_30 {offsets = [14], sizes = [1], strides = [1]} : vector<16xi32> to vector<1xi32>
      %squeeze3A_253 = vector.extract %slice3A_252[0] : i32 from vector<1xi32>
      %add3A_254 = arith.constant 14 : i32
      %add3A_255 = arith.addi %multiple_of3A, %add3A_254 : i32
      %dma_start3A_256 = arith.constant 0 : i32
      %dma_start3A_257 = tpu.memref_slice %arg10[%add3A_255, %dma_start3A_256] : memref<512x128xf32, #tpu.memory_space<vmem>> -> memref<1x32xf32, #tpu.memory_space<vmem>>
      %dma_start3A_258 = tpu.memref_squeeze %dma_start3A_257 : memref<1x32xf32, #tpu.memory_space<vmem>> -> memref<32xf32, #tpu.memory_space<vmem>>
      %dma_start3A_259 = arith.constant 0 : i32
      %dma_start3A_260 = tpu.memref_slice %arg5[%squeeze3A_253, %dma_start3A_259] : memref<100000x32xf32, #tpu.memory_space<hbm>> -> memref<1x32xf32, #tpu.memory_space<hbm>>
      %dma_start3A_261 = tpu.memref_squeeze %dma_start3A_260 : memref<1x32xf32, #tpu.memory_space<hbm>> -> memref<32xf32, #tpu.memory_space<hbm>>
      %dma_start3A_262 = arith.constant 0 : i32
      %dma_start3A_263 = tpu.memref_slice %arg10[%add3A_255, %dma_start3A_262] : memref<512x128xf32, #tpu.memory_space<vmem>> -> memref<1x32xf32, #tpu.memory_space<vmem>>
      %dma_start3A_264 = tpu.memref_squeeze %dma_start3A_263 : memref<1x32xf32, #tpu.memory_space<vmem>> -> memref<32xf32, #tpu.memory_space<vmem>>
      %dma_start3A_265 = arith.constant 0 : i32
      %dma_start3A_266 = tpu.memref_slice %arg5[%squeeze3A_253, %dma_start3A_265] : memref<100000x32xf32, #tpu.memory_space<hbm>> -> memref<1x32xf32, #tpu.memory_space<hbm>>
      %dma_start3A_267 = tpu.memref_squeeze %dma_start3A_266 : memref<1x32xf32, #tpu.memory_space<hbm>> -> memref<32xf32, #tpu.memory_space<hbm>>
      tpu.enqueue_dma source(%dma_start3A_267 : memref<32xf32, #tpu.memory_space<hbm>>) target(%dma_start3A_264 : memref<32xf32, #tpu.memory_space<vmem>>) target_semaphore(%arg11 : memref<!tpu.dma_semaphore, #tpu.memory_space<semaphore_mem>>)
      %slice3A_268 = vector.extract_strided_slice %get3A_30 {offsets = [15], sizes = [1], strides = [1]} : vector<16xi32> to vector<1xi32>
      %squeeze3A_269 = vector.extract %slice3A_268[0] : i32 from vector<1xi32>
      %add3A_270 = arith.constant 15 : i32
      %add3A_271 = arith.addi %multiple_of3A, %add3A_270 : i32
      %dma_start3A_272 = arith.constant 0 : i32
      %dma_start3A_273 = tpu.memref_slice %arg10[%add3A_271, %dma_start3A_272] : memref<512x128xf32, #tpu.memory_space<vmem>> -> memref<1x32xf32, #tpu.memory_space<vmem>>
      %dma_start3A_274 = tpu.memref_squeeze %dma_start3A_273 : memref<1x32xf32, #tpu.memory_space<vmem>> -> memref<32xf32, #tpu.memory_space<vmem>>
      %dma_start3A_275 = arith.constant 0 : i32
      %dma_start3A_276 = tpu.memref_slice %arg5[%squeeze3A_269, %dma_start3A_275] : memref<100000x32xf32, #tpu.memory_space<hbm>> -> memref<1x32xf32, #tpu.memory_space<hbm>>
      %dma_start3A_277 = tpu.memref_squeeze %dma_start3A_276 : memref<1x32xf32, #tpu.memory_space<hbm>> -> memref<32xf32, #tpu.memory_space<hbm>>
      %dma_start3A_278 = arith.constant 0 : i32
      %dma_start3A_279 = tpu.memref_slice %arg10[%add3A_271, %dma_start3A_278] : memref<512x128xf32, #tpu.memory_space<vmem>> -> memref<1x32xf32, #tpu.memory_space<vmem>>
      %dma_start3A_280 = tpu.memref_squeeze %dma_start3A_279 : memref<1x32xf32, #tpu.memory_space<vmem>> -> memref<32xf32, #tpu.memory_space<vmem>>
      %dma_start3A_281 = arith.constant 0 : i32
      %dma_start3A_282 = tpu.memref_slice %arg5[%squeeze3A_269, %dma_start3A_281] : memref<100000x32xf32, #tpu.memory_space<hbm>> -> memref<1x32xf32, #tpu.memory_space<hbm>>
      %dma_start3A_283 = tpu.memref_squeeze %dma_start3A_282 : memref<1x32xf32, #tpu.memory_space<hbm>> -> memref<32xf32, #tpu.memory_space<hbm>>
      tpu.enqueue_dma source(%dma_start3A_283 : memref<32xf32, #tpu.memory_space<hbm>>) target(%dma_start3A_280 : memref<32xf32, #tpu.memory_space<vmem>>) target_semaphore(%arg11 : memref<!tpu.dma_semaphore, #tpu.memory_space<semaphore_mem>>)
    }
    %scan3A_19 = arith.constant 32 : i32
    %scan3A_20 = arith.constant 0 : i32
    %scan3A_21 = arith.constant 0 : i32
    %scan3A_22 = arith.constant 512 : i32
    %scan3A_23 = arith.addi %scan3A_21, %scan3A_22 : i32
    %scan3A_24 = arith.constant 1 : i32
    scf.for %scan3A_26 = %scan3A_21 to %scan3A_23 step %scan3A_24  : i32 {
      %dma_wait3A = arith.constant 0 : i32
      %dma_wait3A_27 = arith.constant 0 : i32
      %dma_wait3A_28 = tpu.memref_slice %arg10[%scan3A_26, %dma_wait3A_27] : memref<512x128xf32, #tpu.memory_space<vmem>> -> memref<1x32xf32, #tpu.memory_space<vmem>>
      %dma_wait3A_29 = tpu.memref_squeeze %dma_wait3A_28 : memref<1x32xf32, #tpu.memory_space<vmem>> -> memref<32xf32, #tpu.memory_space<vmem>>
      %dma_wait3A_30 = arith.constant 0 : i32
      %dma_wait3A_31 = tpu.memref_slice %arg5[%dma_wait3A, %dma_wait3A_30] : memref<100000x32xf32, #tpu.memory_space<hbm>> -> memref<1x32xf32, #tpu.memory_space<hbm>>
      %dma_wait3A_32 = tpu.memref_squeeze %dma_wait3A_31 : memref<1x32xf32, #tpu.memory_space<hbm>> -> memref<32xf32, #tpu.memory_space<hbm>>
      %dma_wait3A_33 = arith.constant 0 : i32
      %dma_wait3A_34 = tpu.memref_slice %arg10[%scan3A_26, %dma_wait3A_33] : memref<512x128xf32, #tpu.memory_space<vmem>> -> memref<1x32xf32, #tpu.memory_space<vmem>>
      %dma_wait3A_35 = tpu.memref_squeeze %dma_wait3A_34 : memref<1x32xf32, #tpu.memory_space<vmem>> -> memref<32xf32, #tpu.memory_space<vmem>>
      %dma_wait3A_36 = arith.constant 0 : i32
      %dma_wait3A_37 = tpu.memref_slice %arg5[%dma_wait3A, %dma_wait3A_36] : memref<100000x32xf32, #tpu.memory_space<hbm>> -> memref<1x32xf32, #tpu.memory_space<hbm>>
      %dma_wait3A_38 = tpu.memref_squeeze %dma_wait3A_37 : memref<1x32xf32, #tpu.memory_space<hbm>> -> memref<32xf32, #tpu.memory_space<hbm>>
      tpu.wait_dma2 semaphore(%arg11 : memref<!tpu.dma_semaphore, #tpu.memory_space<semaphore_mem>>) src(%dma_wait3A_38 : memref<32xf32, #tpu.memory_space<hbm>>) dst(%dma_wait3A_35 : memref<32xf32, #tpu.memory_space<vmem>>)
    }
    %scan3A_25 = arith.constant 512 : i32
    "tpu.region"() ({
      %run_scoped3A = tpu.sem_alloc : memref<!tpu.dma_semaphore, #tpu.memory_space<semaphore_mem>>
      %dma_start3A = arith.constant 0 : i32
      %dma_start3A_26 = tpu.memref_slice %arg7[%mul3A_2, %dma_start3A] : memref<16384x128xf32, #tpu.memory_space<hbm>> -> memref<512x128xf32, #tpu.memory_space<hbm>>
      %dma_start3A_27 = arith.constant 0 : i32
      %dma_start3A_28 = tpu.memref_slice %arg7[%mul3A_2, %dma_start3A_27] : memref<16384x128xf32, #tpu.memory_space<hbm>> -> memref<512x128xf32, #tpu.memory_space<hbm>>
      tpu.enqueue_dma source(%arg10 : memref<512x128xf32, #tpu.memory_space<vmem>>) target(%dma_start3A_28 : memref<512x128xf32, #tpu.memory_space<hbm>>) target_semaphore(%run_scoped3A : memref<!tpu.dma_semaphore, #tpu.memory_space<semaphore_mem>>)
      %dma_wait3A = arith.constant 0 : i32
      %dma_wait3A_29 = tpu.memref_slice %arg7[%mul3A_2, %dma_wait3A] : memref<16384x128xf32, #tpu.memory_space<hbm>> -> memref<512x128xf32, #tpu.memory_space<hbm>>
      %dma_wait3A_30 = arith.constant 0 : i32
      %dma_wait3A_31 = tpu.memref_slice %arg7[%mul3A_2, %dma_wait3A_30] : memref<16384x128xf32, #tpu.memory_space<hbm>> -> memref<512x128xf32, #tpu.memory_space<hbm>>
      tpu.wait_dma2 semaphore(%run_scoped3A : memref<!tpu.dma_semaphore, #tpu.memory_space<semaphore_mem>>) src(%arg10 : memref<512x128xf32, #tpu.memory_space<vmem>>) dst(%dma_wait3A_31 : memref<512x128xf32, #tpu.memory_space<hbm>>)
      tpu.yield
    }) : () -> ()
    return
  }
}

module attributes {stable_mosaic.version = 14 : i64} {
  func.func @_mlp_body(%arg0: i32, %arg1: memref<2048x128xf32, #tpu.memory_space<vmem>>, %arg2: memref<2048x128xf32, #tpu.memory_space<vmem>>, %arg3: memref<2048x19xf32, #tpu.memory_space<vmem>>, %arg4: memref<2048x1xf32, #tpu.memory_space<vmem>>, %arg5: memref<84x128xf32, #tpu.memory_space<vmem>>, %arg6: memref<1x128xf32, #tpu.memory_space<vmem>>, %arg7: memref<128x64xf32, #tpu.memory_space<vmem>>, %arg8: memref<1x64xf32, #tpu.memory_space<vmem>>, %arg9: memref<1x64xf32, #tpu.memory_space<vmem>>, %arg10: memref<1x1xf32, #tpu.memory_space<vmem>>, %arg11: memref<2048x1xf32, #tpu.memory_space<vmem>>) attributes {dimension_semantics = [#tpu.dimension_semantics<arbitrary>], iteration_bounds = array<i64: 8>, scalar_prefetch = 0 : i64, scratch_operands = 0 : i64, tpu.core_type = #tpu.core_type<tc>, window_params = [{transform_indices = @transform_0, window_bounds = array<i64: 2048, 128>}, {transform_indices = @transform_1, window_bounds = array<i64: 2048, 128>}, {transform_indices = @transform_2, window_bounds = array<i64: 2048, 19>}, {transform_indices = @transform_3, window_bounds = array<i64: 2048, 1>}, {pipeline_mode = #tpu.pipeline_mode<synchronous>, transform_indices = @transform_4, window_bounds = array<i64: 84, 128>}, {pipeline_mode = #tpu.pipeline_mode<synchronous>, transform_indices = @transform_5, window_bounds = array<i64: 1, 128>}, {pipeline_mode = #tpu.pipeline_mode<synchronous>, transform_indices = @transform_6, window_bounds = array<i64: 128, 64>}, {pipeline_mode = #tpu.pipeline_mode<synchronous>, transform_indices = @transform_7, window_bounds = array<i64: 1, 64>}, {pipeline_mode = #tpu.pipeline_mode<synchronous>, transform_indices = @transform_8, window_bounds = array<i64: 1, 64>}, {pipeline_mode = #tpu.pipeline_mode<synchronous>, transform_indices = @transform_9, window_bounds = array<i64: 1, 1>}, {transform_indices = @transform_10, window_bounds = array<i64: 2048, 1>}]} {
    %get3A = arith.constant 0 : index
    %get3A_0 = arith.constant 0 : index
    %get3A_1 = vector.load %arg1[%get3A, %get3A_0] : memref<2048x128xf32, #tpu.memory_space<vmem>>, vector<2048x32xf32>
    %get3A_2 = arith.constant 0 : index
    %get3A_3 = arith.constant 0 : index
    %get3A_4 = vector.load %arg2[%get3A_2, %get3A_3] : memref<2048x128xf32, #tpu.memory_space<vmem>>, vector<2048x32xf32>
    %get3A_5 = arith.constant 0 : index
    %get3A_6 = arith.constant 0 : index
    %get3A_7 = vector.load %arg3[%get3A_5, %get3A_6] : memref<2048x19xf32, #tpu.memory_space<vmem>>, vector<2048x19xf32>
    %get3A_8 = arith.constant 0 : index
    %get3A_9 = arith.constant 0 : index
    %get3A_10 = vector.load %arg4[%get3A_8, %get3A_9] : memref<2048x1xf32, #tpu.memory_space<vmem>>, vector<2048x1xf32>
    %concatenate3A = tpu.concatenate %get3A_1, %get3A_4, %get3A_7, %get3A_10 in 1 : vector<2048x32xf32>, vector<2048x32xf32>, vector<2048x19xf32>, vector<2048x1xf32> -> vector<2048x84xf32>
    %get3A_11 = arith.constant 0 : index
    %get3A_12 = arith.constant 0 : index
    %get3A_13 = vector.load %arg5[%get3A_11, %get3A_12] : memref<84x128xf32, #tpu.memory_space<vmem>>, vector<84x128xf32>
    %dot_general3A = arith.constant dense<0.000000e+00> : vector<2048x128xf32>
    %dot_general3A_14 = tpu.matmul %concatenate3A, %get3A_13, %dot_general3A {dimension_numbers = #tpu.dot_dimension_numbers<[1], [0], [0], [1], [0, 0, 1, 1], [], []>, transpose_lhs_hint = false} : vector<2048x84xf32>, vector<84x128xf32>, vector<2048x128xf32> -> vector<2048x128xf32>
    %get3A_15 = arith.constant 0 : index
    %get3A_16 = arith.constant 0 : index
    %get3A_17 = vector.load %arg6[%get3A_15, %get3A_16] : memref<1x128xf32, #tpu.memory_space<vmem>>, vector<1x128xf32>
    %add3A = vector.broadcast %get3A_17 : vector<1x128xf32> to vector<2048x128xf32>
    %add3A_18 = arith.addf %dot_general3A_14, %add3A : vector<2048x128xf32>
    %max3A = arith.constant 0.000000e+00 : f32
    %max3A_19 = vector.broadcast %max3A : f32 to vector<2048x128xf32>
    %max3A_20 = arith.maximumf %add3A_18, %max3A_19 : vector<2048x128xf32>
    %get3A_21 = arith.constant 0 : index
    %get3A_22 = arith.constant 0 : index
    %get3A_23 = vector.load %arg7[%get3A_21, %get3A_22] : memref<128x64xf32, #tpu.memory_space<vmem>>, vector<128x64xf32>
    %dot_general3A_24 = arith.constant dense<0.000000e+00> : vector<2048x64xf32>
    %dot_general3A_25 = tpu.matmul %max3A_20, %get3A_23, %dot_general3A_24 {dimension_numbers = #tpu.dot_dimension_numbers<[1], [0], [0], [1], [0, 0, 1, 1], [], []>, transpose_lhs_hint = false} : vector<2048x128xf32>, vector<128x64xf32>, vector<2048x64xf32> -> vector<2048x64xf32>
    %get3A_26 = arith.constant 0 : index
    %get3A_27 = arith.constant 0 : index
    %get3A_28 = vector.load %arg8[%get3A_26, %get3A_27] : memref<1x64xf32, #tpu.memory_space<vmem>>, vector<1x64xf32>
    %add3A_29 = vector.broadcast %get3A_28 : vector<1x64xf32> to vector<2048x64xf32>
    %add3A_30 = arith.addf %dot_general3A_25, %add3A_29 : vector<2048x64xf32>
    %max3A_31 = arith.constant 0.000000e+00 : f32
    %max3A_32 = vector.broadcast %max3A_31 : f32 to vector<2048x64xf32>
    %max3A_33 = arith.maximumf %add3A_30, %max3A_32 : vector<2048x64xf32>
    %get3A_34 = arith.constant 0 : index
    %get3A_35 = arith.constant 0 : index
    %get3A_36 = vector.load %arg9[%get3A_34, %get3A_35] : memref<1x64xf32, #tpu.memory_space<vmem>>, vector<1x64xf32>
    %mul3A = vector.broadcast %get3A_36 : vector<1x64xf32> to vector<2048x64xf32>
    %mul3A_37 = arith.mulf %max3A_33, %mul3A : vector<2048x64xf32>
    %reduce_sum3A = arith.constant dense<0.000000e+00> : vector<2048xf32>
    %reduce_sum3A_38 = vector.multi_reduction <add>, %mul3A_37, %reduce_sum3A [1] : vector<2048x64xf32> to vector<2048xf32>
    %broadcast_in_dim3A = vector.shape_cast %reduce_sum3A_38 : vector<2048xf32> to vector<2048x1xf32>
    %get3A_39 = arith.constant 0 : index
    %get3A_40 = arith.constant 0 : index
    %get3A_41 = vector.load %arg10[%get3A_39, %get3A_40] : memref<1x1xf32, #tpu.memory_space<vmem>>, vector<1x1xf32>
    %add3A_42 = vector.broadcast %get3A_41 : vector<1x1xf32> to vector<2048x1xf32>
    %add3A_43 = arith.addf %broadcast_in_dim3A, %add3A_42 : vector<2048x1xf32>
    %swap3A = arith.constant 0 : index
    %swap3A_44 = arith.constant 0 : index
    %swap3A_45 = vector.load %arg11[%swap3A, %swap3A_44] : memref<2048x1xf32, #tpu.memory_space<vmem>>, vector<2048x1xf32>
    tpu.vector_store %arg11[%swap3A, %swap3A_44], %add3A_43 {strides = array<i32>} : memref<2048x1xf32, #tpu.memory_space<vmem>>, vector<2048x1xf32>,
    return
  }
  func.func @transform_0(%arg0: i32) -> (i32, i32) {
    %c0_i32 = arith.constant 0 : i32
    %c0_i32_0 = arith.constant 0 : i32
    return %arg0, %c0_i32 : i32, i32
  }
  func.func @transform_1(%arg0: i32) -> (i32, i32) {
    %c0_i32 = arith.constant 0 : i32
    %c0_i32_0 = arith.constant 0 : i32
    return %arg0, %c0_i32 : i32, i32
  }
  func.func @transform_2(%arg0: i32) -> (i32, i32) {
    %c0_i32 = arith.constant 0 : i32
    %c0_i32_0 = arith.constant 0 : i32
    return %arg0, %c0_i32 : i32, i32
  }
  func.func @transform_3(%arg0: i32) -> (i32, i32) {
    %c0_i32 = arith.constant 0 : i32
    %c0_i32_0 = arith.constant 0 : i32
    return %arg0, %c0_i32 : i32, i32
  }
  func.func @transform_4(%arg0: i32) -> (i32, i32) {
    %c0_i32 = arith.constant 0 : i32
    %c0_i32_0 = arith.constant 0 : i32
    %c0_i32_1 = arith.constant 0 : i32
    return %c0_i32, %c0_i32_0 : i32, i32
  }
  func.func @transform_5(%arg0: i32) -> (i32, i32) {
    %c0_i32 = arith.constant 0 : i32
    %c0_i32_0 = arith.constant 0 : i32
    %c0_i32_1 = arith.constant 0 : i32
    return %c0_i32, %c0_i32_0 : i32, i32
  }
  func.func @transform_6(%arg0: i32) -> (i32, i32) {
    %c0_i32 = arith.constant 0 : i32
    %c0_i32_0 = arith.constant 0 : i32
    %c0_i32_1 = arith.constant 0 : i32
    return %c0_i32, %c0_i32_0 : i32, i32
  }
  func.func @transform_7(%arg0: i32) -> (i32, i32) {
    %c0_i32 = arith.constant 0 : i32
    %c0_i32_0 = arith.constant 0 : i32
    %c0_i32_1 = arith.constant 0 : i32
    return %c0_i32, %c0_i32_0 : i32, i32
  }
  func.func @transform_8(%arg0: i32) -> (i32, i32) {
    %c0_i32 = arith.constant 0 : i32
    %c0_i32_0 = arith.constant 0 : i32
    %c0_i32_1 = arith.constant 0 : i32
    return %c0_i32, %c0_i32_0 : i32, i32
  }
  func.func @transform_9(%arg0: i32) -> (i32, i32) {
    %c0_i32 = arith.constant 0 : i32
    %c0_i32_0 = arith.constant 0 : i32
    %c0_i32_1 = arith.constant 0 : i32
    return %c0_i32, %c0_i32_0 : i32, i32
  }
  func.func @transform_10(%arg0: i32) -> (i32, i32) {
    %c0_i32 = arith.constant 0 : i32
    %c0_i32_0 = arith.constant 0 : i32
    return %arg0, %c0_i32 : i32, i32
  }
}

</mosaic_0001>

<sc_bundles>
// kernel: kernel.4.cloned.1.call-start
scs
__scs_entry_jumppad:
0x0: {  	(pc) =	sbr.rel $0x88, $3  }
0x1: {  	(tag) =	ssettag $0x0;
	lr =	simm.s32 $0x1  }
0x2: {  	[smem:$0x3F95] =	sst lr;
	_ =	strace $0xD0000000  }
0x3: {  	_ = 	snop  }
0x4: {  	_ = 	snop  }
0x5: {  	_ = 	snop  }
0x6: {  	_ = 	snop  }
0x7: {  	_ = 	snop  }
__scs_overlays_trampoline_lowered:
0x8: {  	[smem:$0x3FA4] =	sst s0  }
0x9: {  	[smem:$0x3FA5] =	sst s1  }
0xa: {  	[smem:$0x3FA6] =	sst s2  }
0xb: {  	[smem:$0x3FA7] =	sst s3  }
0xc: {  	[smem:$0x3FA8] =	sst s4  }
0xd: {  	[smem:$0x3FA9] =	sst s5  }
0xe: {  	[smem:$0x3FAA] =	sst s6  }
0xf: {  	[smem:$0x3FAB] =	sst s7  }
0x10: {  	[smem:$0x3FAC] =	sst s8  }
0x11: {  	[smem:$0x3FAD] =	sst s9;
	s0 =	simm.s32 @!p0 $0x0  }
0x12: {  	s1 =	sld [smem:$0x3F93];
	s0 =	simm.s32 @p0 $0x1  }
0x13: {  	[smem:$0x3FAE] =	sst s0;
	s0 =	simm.s32 @!p1 $0x0  }
0x14: {  	s2 =	sld [smem:$0x3F92];
	s0 =	simm.s32 @p1 $0x1  }
0x15: {  	[smem:$0x3FAF] =	sst s0;
	s0 =	simm.s32 @!p2 $0x0  }
0x16: {  	s3 =	sld [smem:$0x3FDB];
	s0 =	simm.s32 @p2 $0x1  }
0x17: {  	s4 =	simm.s32 $0x1BF5;
	[smem:$0x3FB1] =	sst s0  }
0x18: {  	s0 =	sld [smem:$0x3F94];
	_ =	swait.ge [sflag:s4], $0x0  }
0x19: {  	s7 =	sld [smem:$0x3F95]  }
0x1a: {  	s8 =	sadd.s32 $0xFFFFE003, lr  }
0x1b: {  	s9 =	sadd.s32 $0xFFFFFEF7, lr;
	s5 =	simm.s32 $0xFFFFFFFF;
	p2 =	slt.u32 s8, $0xFFFFF086  }
0x1c: {  	p1 =	slt.u32 s9, $0xF7A;
	s5 =	simm.s32 @!p2 $0x0  }
0x1d: {  	s5 =	simm.s32 @p1 $0x1;
	p0 =	seq.s32 s7, s2  }
0x1e: {  	s7 =	smul.u32 @!p0 $0xF7A, s2;
	p2 =	seq.s32 @!p0 s5, $0x0  }
0x1f: {  	s9 =	smul.u32 $0xF7A, s1;
	s8 =	simm.s32 @!p0 $0x1BF5;
	p2 =	por !p2, p0  }
0x20: {  	[sflag:s8] =	ssyncset.s32 @!p0 $0xFFFFF086;
	s6 =	sadd.s32 @!p0 s3, s7;
	s7 =	simm.s32 @!p0 $0x108  }
0x21: {  	s3 =	sadd.s32 s3, s9;
	s6 =	sadd.s32 @!p0 $0x88, s6;
	s7 =	simm.s32 @p2 $0x1082  }
0x22: {  	[simem:s7], [sflag:s8] =	dma.local @!p0 [hbm:s6], $0xF7A  }
0x23: {  	s9 =	sor.u32 $0xD0000000, s2;
	s6 =	simm.s32 $0x108;
	_ =	swait.ge @!p0 [sflag:s8], $0x0  }
0x24: {  	s3 =	sadd.s32 $0x88, s3;
	s6 =	simm.s32 @!p1 $0x1082;
	[sflag:s4] =	ssyncset.s32 $0xFFFFF086  }
0x25: {  	[simem:s6], [sflag:s4] =	dma.local [hbm:s3], $0xF7A  }
0x26: {  	[smem:$0x3F95] =	sst s1;
	(tag) =	ssettag s2;
	_ =	strace s9  }
0x27: {  	s1 =	sld [smem:$0x3FA5]  }
0x28: {  	s2 =	sld [smem:$0x3FA6]  }
0x29: {  	s4 =	sld [smem:$0x3FA8]  }
0x2a: {  	p0 =	seq.s32 s5, $0x0;
	s5 =	sld [smem:$0x3FA9]  }
0x2b: {  	s6 =	sld [smem:$0x3FAA]  }
0x2c: {  	s7 =	sld [smem:$0x3FAB]  }
0x2d: {  	s3 =	simm.s32 $0x108;
	s8 =	sld [smem:$0x3FAC]  }
0x2e: {  	s3 =	simm.s32 @!p0 $0x1082;
	s9 =	sld [smem:$0x3FAD]  }
0x2f: {  	lr =	sadd.s32 s0, s3;
	s0 =	sld [smem:$0x3FA4]  }
0x30: {  	s3 =	sld [smem:$0x3FA7]  }
0x31: {  	[smem:$0x3FB0] =	sst s10  }
0x32: {  	s10 =	sld [smem:$0x3FAE];
	_ =	sdelay $0x3  }
0x33: {  	p0 =	seq.s32 s10, $0x1;
	s10 =	sld [smem:$0x3FB0];
	_ =	sdelay $0x3  }
0x34: {  	[smem:$0x3FB0] =	sst s10  }
0x35: {  	s10 =	sld [smem:$0x3FAF];
	_ =	sdelay $0x3  }
0x36: {  	p1 =	seq.s32 s10, $0x1;
	s10 =	sld [smem:$0x3FB0];
	_ =	sdelay $0x3  }
0x37: {  	[smem:$0x3FB0] =	sst s10  }
0x38: {  	s10 =	sld [smem:$0x3FB1]  }
0x39: {  	_ = 	snop;
	(pc) =	sbr.ind lr, $3  }
0x3a: {  	_ = 	snop  }
0x3b: {  	_ = 	snop  }
0x3c: {  	p2 =	seq.s32 s10, $0x1;
	s10 =	sld [smem:$0x3FB0]  }
0x3d: {  	_ =	shalt  }
0x3e: {  	_ =	shalt  }
0x3f: {  	_ =	shalt  }
0x40: {  	_ =	shalt  }
0x41: {  	_ =	shalt  }
0x42: {  	_ =	shalt  }
0x43: {  	_ =	shalt  }
0x44: {  	_ =	shalt  }
0x45: {  	_ =	shalt  }
0x46: {  	_ =	shalt  }
0x47: {  	_ =	shalt  }
0x48: {  	_ =	shalt  }
0x49: {  	_ =	shalt  }
0x4a: {  	_ =	shalt  }
0x4b: {  	_ =	shalt  }
0x4c: {  	_ =	shalt  }
0x4d: {  	_ =	shalt  }
0x4e: {  	_ =	shalt  }
0x4f: {  	_ =	shalt  }
0x50: {  	_ =	shalt  }
0x51: {  	_ =	shalt  }
0x52: {  	_ =	shalt  }
0x53: {  	_ =	shalt  }
0x54: {  	_ =	shalt  }
0x55: {  	_ =	shalt  }
0x56: {  	_ =	shalt  }
0x57: {  	_ =	shalt  }
0x58: {  	_ =	shalt  }
0x59: {  	_ =	shalt  }
0x5a: {  	_ =	shalt  }
0x5b: {  	_ =	shalt  }
0x5c: {  	_ =	shalt  }
0x5d: {  	_ =	shalt  }
0x5e: {  	_ =	shalt  }
0x5f: {  	_ =	shalt  }
0x60: {  	_ =	shalt  }
0x61: {  	_ =	shalt  }
0x62: {  	_ =	shalt  }
0x63: {  	_ =	shalt  }
0x64: {  	_ =	shalt  }
0x65: {  	_ =	shalt  }
0x66: {  	_ =	shalt  }
0x67: {  	_ =	shalt  }
0x68: {  	_ =	shalt  }
0x69: {  	_ =	shalt  }
0x6a: {  	_ =	shalt  }
0x6b: {  	_ =	shalt  }
0x6c: {  	_ =	shalt  }
0x6d: {  	_ =	shalt  }
0x6e: {  	_ =	shalt  }
0x6f: {  	_ =	shalt  }
0x70: {  	_ =	shalt  }
0x71: {  	_ =	shalt  }
0x72: {  	_ =	shalt  }
0x73: {  	_ =	shalt  }
0x74: {  	_ =	shalt  }
0x75: {  	_ =	shalt  }
0x76: {  	_ =	shalt  }
0x77: {  	_ =	shalt  }
0x78: {  	_ =	shalt  }
0x79: {  	_ =	shalt  }
0x7a: {  	_ =	shalt  }
0x7b: {  	_ =	shalt  }
0x7c: {  	_ =	shalt  }
0x7d: {  	_ =	shalt  }
0x7e: {  	_ =	shalt  }
0x7f: {  	_ =	shalt  }
0x80: {  	_ =	shalt  }
0x81: {  	_ =	shalt  }
0x82: {  	_ =	shalt  }
0x83: {  	_ =	shalt  }
0x84: {  	_ =	shalt  }
0x85: {  	_ =	shalt  }
0x86: {  	_ =	shalt  }
0x87: {  	_ =	shalt  }
.Lfunc_end0:
.L_simem_size_0:
called_computation_lowered:
.L_overlay_start_0:
0x88: {  	s2 =	sld [smem:$0x3FD9]  }
0x89: {  	s3 =	sld [smem:$0x3FFE];
	_ =	sdelay $0x1  }
0x8a: {  	s1 =	srdreg.scid  }
0x8b: {  	s0 =	sand.u32 $0x1, s1  }
0x8c: {  	s17 =	sshll.u32 s0, $0xA;
	s2 =	sadd.s32 s3, s2  }
0x8d: {  	s2 =	sadd.s32 s2, s17  }
0x8e: {  	[smem:$0x3FBC] =	sst s2  }
0x8f: {  	_ = 	snop  }
0x90: {  	s2 =	sld [smem:$0x3FC9]  }
0x91: {  	s18 =	sld [smem:$0x3FC8];
	(tm) =	ssettm $0x1  }
0x92: {  	s4 =	sld [smem:$0x3FFB];
	_ =	sdelay $0x3  }
0x93: {  	_ =	strace s4  }
0x94: {  	s4 =	sld [smem:$0x3FFC];
	_ =	sdelay $0x3  }
0x95: {  	_ =	strace s4  }
0x96: {  	s4 =	sld [smem:$0x3FFD];
	_ =	sdelay $0x3  }
0x97: {  	_ =	strace s4  }
0x98: {  	_ =	strace $0x8FFFFFFF  }
0x99: {  	s19 =	sld [smem:$0x3FDB];
	_ =	sdelay $0x1  }
0x9a: {  	s5 =	simm.s32 $_scs_section_size  }
0x9b: {  	s6 =	simm.s32 $_size__tile_overlayer_lowered;
	s7 =	simm.s32 $_tile_overlayer_lowered  }
0x9c: {  	s22 =	simm.s32 $0x1BFF;
	s21 =	sshll.u32 s7, $0x1;
	s4 =	sadd.s32 s5, s19  }
0x9d: {  	s8 =	simm.s32 $0x0;
	s20 =	sshll.u32 s6, $0x1;
	s6 =	sadd.s32 s21, s4  }
0x9e: {  	[timem:s8], [sflag:s22] =	dma.local [hbm:s6], s20  }
0x9f: {  	_ =	swait.ge [sflag:s22], s20  }
0xa0: {  	s5 =	ssub.s32 $0x0, s20;
	[sflag:s22] =	ssyncset.done $0x0  }
0xa1: {  	[sflag:s22] =	ssyncadd.s32 s5;
	_ =	sdelay $0x1  }
0xa2: {  	s23 =	simm.s32 $0x1B8B  }
0xa3: {  	_ =	swait.ge [sflag:s23], $0x1  }
0xa4: {  	[sflag:s23] =	ssyncset.done $0x0  }
0xa5: {  	s25 =	simm.s32 $0x1B8E;
	s24 =	sld [smem:$0x3FFE];
	[sflag:s23] =	ssyncadd.s32 $0xFFFFFFFF  }
0xa6: {  	s26 =	simm.s32 $execute0_lowered;
	[smem:$0x3FD2] =	sst s25  }
0xa7: {  	s6 =	sshll.u32 s26, $0x1;
	_ =	strace $0x80000046;
	[dreg:$0x1] =	wrdreg $0xFFFFFFFF  }
0xa8: {  	s28 =	simm.s32 $_size_execute0_lowered;
	s4 =	sadd.s32 s4, s6;
	[dreg:$0x0] =	wrdreg $0x0  }
0xa9: {  	s6 =	sshll.u32 s28, $0x1;
	[dreg:$0x2] =	wrdreg s4  }
0xaa: {  	[dreg:$0x3] =	wrdreg s6  }
0xab: {  	[dreg:$0x4] =	wrdreg $0xC0  }
0xac: {  	_ =	task [dreg:s8], $0x5FFFF  }
0xad: {  	[dreg:$0x1] =	wrdreg $0xFFFFFFFF  }
0xae: {  	[dreg:$0x0] =	wrdreg $0x60  }
0xaf: {  	[dreg:$0x2] =	wrdreg s2  }
0xb0: {  	[dreg:$0x3] =	wrdreg s18  }
0xb1: {  	[dreg:$0x4] =	wrdreg s24  }
0xb2: {  	[dreg:$0x5] =	wrdreg $0x9  }
0xb3: {  	_ =	task.clear_ibuf [dreg:s8], $0x6FFFF;
	_ =	strace $0x90000046  }
0xb4: {  	s29 =	simm.s32 $0x9;
	_ =	strace $0x80000048  }
0xb5: {  	_ =	swait.ge [sflag:s29], $0x1  }
0xb6: {  	[sflag:s29] =	ssyncadd.s32 $0xFFFFFFFF  }
0xb7: {  	_ =	strace $0x90000048  }
0xb8: {  	_ =	sfence  }
0xb9: {  	s30 =	sld [smem:$0x0];
	_ =	sdelay $0x2  }
0xba: {  	s31 =	sshll.u32 s1, $0xD;
	s1 =	sshrl.u32 s1, $0x2  }
0xbb: {  	s3 =	sand.u32 $0x4000, s31;
	s1 =	sadd.s32 s1, s30  }
0xbc: {  	s0 =	sor.u32 s3, s0;
	s1 =	sshll.u32 s1, $0x11  }
0xbd: {  	s0 =	sor.u32 s1, s0  }
0xbe: {  	s0 =	sadd.s32 $0x8F2B, s0  }
0xbf: {  	[sflag:s0] =	ssyncadd.remote.s32 $0x1  }
0xc0: {  	_ =	sfence.sel $0xFFFF  }
0xc1: {  	[dreg:$0x0] =	wrdreg $0xFFFFFFFF;
	(pc) =	sbr.abs _section_cstart, $3  }
0xc2: {  	[dreg:$0x1] =	wrdreg $0xFFFFFFFF  }
0xc3: {  	_ =	task.clear_ibuf [dreg:s8], $0x2FFFF;
	_ =	strace $0x9FFFFFFF  }
0xc4: {  	(tm) =	ssettm $0x7FFFFFFF  }
0xc5: {  	_ =	shalt  }
tec
execute0_lowered:
.L_overlay_start_1:
0x0: {  	(tag) =	ssettag $0x1  }
0x1: {  	s5 =	rddreg [dreg:$0x0]  }
0x2: {  	s6 =	rddreg [dreg:$0x1]  }
0x3: {  	s7 =	rddreg [dreg:$0x2]  }
0x4: {  	s0 =	rddreg [dreg:$0x3];
	s3 =	srdreg.scid  }
0x5: {  	s2 =	simm.s32 $0x0;
	s1 =	stileid.u32;
	s12 =	simm.s32 $0x80  }
0x6: {  	s13 =	simm.s32 $0x400;
	s14 =	simm.s32 $0x1;
	s15 =	simm.s32 $0x0  }
0x7: {  	s8 =	sand.u32 $0x1, s3;
	[smem:$0x7FF] =	sst s2;
	s4 =	sshll.u32 s1, $0xA  }
0x8: {  	s3 =	sadd.s32 $0x1400, s7;
	s9 =	sshll.u32 s8, $0x9;
	_ =	strace $0x80000047  }
0x9: {  	s8 =	ssub.s32 $0x2, s8;
	s9 =	sor.u32 s9, s4;
	s4 =	sadd.s32 $0xF43800, s7  }
0xa: {  	s31 =	sshrl.u32 s8, $0x1;
	s10 =	sshll.u32 s9, $0x4;
	s9 =	sshrl.u32 s9, $0x3  }
0xb: {  	s11 =	ssub.s32 s8, s31;
	s10 =	sadd.s32 s10, s7;
	s5 =	sadd.s32 s5, s9  }
0xc: {  	s6 =	sadd.s32 s6, s9;
	s9 =	smax.u32 s11, $0x1;
	s11 =	simm.s32 $0x200  }
0xd: {  	s7 =	sadd.s32 $0x10CA200, s10;
	s8 =	sadd.s32 $0x110A200, s10;
	s10 =	simm.s32 $0x2  }
.LBB2_1:
0xe: {  	[tilespmem:s2], [sflag:$0x2] =	stream.linear.gather [hbm4b:s5+s2], $0x200, $0x38;
	[tilespmem:$0x10400] =	vst v63  }
0xf: {  	_ =	swait.ge [sflag:s10], $0x200  }
0x10: {  	[sflag:s10] =	ssyncset.done $0x0  }
0x11: {  	[sflag:s10] =	ssyncadd.s32 $0xFFFFFE00  }
0x12: {  	[tilespmem:s11], [sflag:$0x2] =	stream.linear.gather [hbm4b:s6+s2], $0x200, $0x38;
	[tilespmem:$0x10400] =	vst v63  }
0x13: {  	_ =	swait.ge [sflag:s10], $0x200  }
0x14: {  	[sflag:s10] =	ssyncset.done $0x0  }
0x15: {  	[sflag:s10] =	ssyncadd.s32 $0xFFFFFE00  }
0x16: {  	v0 =	vld [tilespmem:s2+$0x0];
	_ =	sdelay $0x4  }
0x17: {  	v0 =	vshll.u32 v0, $0x4  }
0x18: {  	(v2sf) =	vpush v0, $0x0;
	_ =	sdelay $0x1  }
0x19: {  	(v2sf) =	vpush v0, $0x1;
	_ =	sdelay $0x3  }
0x1a: {  	(v2sf) =	vpush v0, $0x2;
	_ =	sdelay $0x3  }
0x1b: {  	(v2sf) =	vpush v0, $0x3;
	_ =	sdelay $0x3  }
0x1c: {  	(v2sf) =	vpush v0, $0x4  }
0x1d: {  	s16 =	spop (v2sf)  }
0x1e: {  	s16 =	sand.u32 $0x1FFFFFF0, s16  }
0x1f: {  	s18 =	simm.s32 $0x400;
	s17 =	spop (v2sf);
	s16 =	sadd.s32 s3, s16  }
0x20: {  	(v2sf) =	vpush v0, $0x5;
	[tilespmem:s18], [sflag:$0x1] =	stream.strided.gather [hbm4b:s16+s12], $0x0, s13, s12, $0x38;
	[tilespmem:$0x10400] =	vst v63  }
0x21: {  	s17 =	sand.u32 $0x1FFFFFF0, s17  }
0x22: {  	[tilespmem:s18], [sflag:$0x1] =	stream.linear.gather [hbm4b:s16+s2], $0x20, $0x38;
	[tilespmem:$0x10400] =	vst v63  }
0x23: {  	s28 =	simm.s32 $0x480;
	s29 =	spop (v2sf);
	s17 =	sadd.s32 s3, s17  }
0x24: {  	(v2sf) =	vpush v0, $0x6;
	[tilespmem:s28], [sflag:$0x1] =	stream.strided.gather [hbm4b:s17+s12], $0x0, s13, s12, $0x38;
	[tilespmem:$0x10400] =	vst v63  }
0x25: {  	s18 =	sand.u32 $0x1FFFFFF0, s29  }
0x26: {  	[tilespmem:s28], [sflag:$0x1] =	stream.linear.gather [hbm4b:s17+s2], $0x20, $0x38;
	[tilespmem:$0x10400] =	vst v63  }
0x27: {  	s31 =	simm.s32 $0x500;
	s30 =	spop (v2sf);
	s18 =	sadd.s32 s3, s18  }
0x28: {  	(v2sf) =	vpush v0, $0x7;
	[tilespmem:s31], [sflag:$0x1] =	stream.strided.gather [hbm4b:s18+s12], $0x0, s13, s12, $0x38;
	[tilespmem:$0x10400] =	vst v63  }
0x29: {  	s16 =	sand.u32 $0x1FFFFFF0, s30  }
0x2a: {  	[tilespmem:s31], [sflag:$0x1] =	stream.linear.gather [hbm4b:s18+s2], $0x20, $0x38;
	[tilespmem:$0x10400] =	vst v63  }
0x2b: {  	s20 =	simm.s32 $0x580;
	s19 =	spop (v2sf);
	s16 =	sadd.s32 s3, s16  }
0x2c: {  	(v2sf) =	vpush v0, $0x8;
	[tilespmem:s20], [sflag:$0x1] =	stream.strided.gather [hbm4b:s16+s12], $0x0, s13, s12, $0x38;
	[tilespmem:$0x10400] =	vst v63  }
0x2d: {  	s17 =	sand.u32 $0x1FFFFFF0, s19  }
0x2e: {  	[tilespmem:s20], [sflag:$0x1] =	stream.linear.gather [hbm4b:s16+s2], $0x20, $0x38;
	[tilespmem:$0x10400] =	vst v63  }
0x2f: {  	s22 =	simm.s32 $0x600;
	s17 =	sadd.s32 s3, s17;
	s21 =	spop (v2sf)  }
0x30: {  	(v2sf) =	vpush v0, $0x9;
	[tilespmem:s22], [sflag:$0x1] =	stream.strided.gather [hbm4b:s17+s12], $0x0, s13, s12, $0x38;
	[tilespmem:$0x10400] =	vst v63  }
0x31: {  	s16 =	sand.u32 $0x1FFFFFF0, s21  }
0x32: {  	[tilespmem:s22], [sflag:$0x1] =	stream.linear.gather [hbm4b:s17+s2], $0x20, $0x38;
	[tilespmem:$0x10400] =	vst v63  }
0x33: {  	s24 =	simm.s32 $0x680;
	s23 =	spop (v2sf);
	s16 =	sadd.s32 s3, s16  }
0x34: {  	(v2sf) =	vpush v0, $0xA;
	[tilespmem:s24], [sflag:$0x1] =	stream.strided.gather [hbm4b:s16+s12], $0x0, s13, s12, $0x38;
	[tilespmem:$0x10400] =	vst v63  }
0x35: {  	s17 =	sand.u32 $0x1FFFFFF0, s23  }
0x36: {  	[tilespmem:s24], [sflag:$0x1] =	stream.linear.gather [hbm4b:s16+s2], $0x20, $0x38;
	[tilespmem:$0x10400] =	vst v63  }
0x37: {  	s26 =	simm.s32 $0x700;
	s25 =	spop (v2sf);
	s17 =	sadd.s32 s3, s17  }
0x38: {  	(v2sf) =	vpush v0, $0xB;
	[tilespmem:s26], [sflag:$0x1] =	stream.strided.gather [hbm4b:s17+s12], $0x0, s13, s12, $0x38;
	[tilespmem:$0x10400] =	vst v63  }
0x39: {  	s16 =	sand.u32 $0x1FFFFFF0, s25  }
0x3a: {  	[tilespmem:s26], [sflag:$0x1] =	stream.linear.gather [hbm4b:s17+s2], $0x20, $0x38;
	[tilespmem:$0x10400] =	vst v63  }
0x3b: {  	s29 =	simm.s32 $0x780;
	s28 =	spop (v2sf);
	s16 =	sadd.s32 s3, s16  }
0x3c: {  	(v2sf) =	vpush v0, $0xC;
	[tilespmem:s29], [sflag:$0x1] =	stream.strided.gather [hbm4b:s16+s12], $0x0, s13, s12, $0x38;
	[tilespmem:$0x10400] =	vst v63  }
0x3d: {  	s17 =	sand.u32 $0x1FFFFFF0, s28  }
0x3e: {  	[tilespmem:s29], [sflag:$0x1] =	stream.linear.gather [hbm4b:s16+s2], $0x20, $0x38;
	[tilespmem:$0x10400] =	vst v63  }
0x3f: {  	s31 =	simm.s32 $0x800;
	s30 =	spop (v2sf);
	s17 =	sadd.s32 s3, s17  }
0x40: {  	(v2sf) =	vpush v0, $0xD;
	[tilespmem:s31], [sflag:$0x1] =	stream.strided.gather [hbm4b:s17+s12], $0x0, s13, s12, $0x38;
	[tilespmem:$0x10400] =	vst v63  }
0x41: {  	s16 =	sand.u32 $0x1FFFFFF0, s30  }
0x42: {  	[tilespmem:s31], [sflag:$0x1] =	stream.linear.gather [hbm4b:s17+s2], $0x20, $0x38;
	[tilespmem:$0x10400] =	vst v63  }
0x43: {  	s20 =	simm.s32 $0x880;
	s19 =	spop (v2sf);
	s16 =	sadd.s32 s3, s16  }
0x44: {  	(v2sf) =	vpush v0, $0xE;
	[tilespmem:s20], [sflag:$0x1] =	stream.strided.gather [hbm4b:s16+s12], $0x0, s13, s12, $0x38;
	[tilespmem:$0x10400] =	vst v63  }
0x45: {  	s17 =	sand.u32 $0x1FFFFFF0, s19  }
0x46: {  	[tilespmem:s20], [sflag:$0x1] =	stream.linear.gather [hbm4b:s16+s2], $0x20, $0x38;
	[tilespmem:$0x10400] =	vst v63  }
0x47: {  	s22 =	simm.s32 $0x900;
	s21 =	spop (v2sf);
	s17 =	sadd.s32 s3, s17  }
0x48: {  	(v2sf) =	vpush v0, $0xF;
	[tilespmem:s22], [sflag:$0x1] =	stream.strided.gather [hbm4b:s17+s12], $0x0, s13, s12, $0x38;
	[tilespmem:$0x10400] =	vst v63  }
0x49: {  	s16 =	sand.u32 $0x1FFFFFF0, s21  }
0x4a: {  	[tilespmem:s22], [sflag:$0x1] =	stream.linear.gather [hbm4b:s17+s2], $0x20, $0x38;
	[tilespmem:$0x10400] =	vst v63  }
0x4b: {  	s24 =	simm.s32 $0x980;
	s23 =	spop (v2sf);
	s16 =	sadd.s32 s3, s16  }
0x4c: {  	[tilespmem:s24], [sflag:$0x1] =	stream.strided.gather [hbm4b:s16+s12], $0x0, s13, s12, $0x38;
	[tilespmem:$0x10400] =	vst v63  }
0x4d: {  	s17 =	sand.u32 $0x1FFFFFF0, s23  }
0x4e: {  	[tilespmem:s24], [sflag:$0x1] =	stream.linear.gather [hbm4b:s16+s2], $0x20, $0x38;
	[tilespmem:$0x10400] =	vst v63  }
0x4f: {  	s26 =	simm.s32 $0xA00;
	s25 =	spop (v2sf);
	s17 =	sadd.s32 s3, s17  }
0x50: {  	[tilespmem:s26], [sflag:$0x1] =	stream.strided.gather [hbm4b:s17+s12], $0x0, s13, s12, $0x38;
	[tilespmem:$0x10400] =	vst v63  }
0x51: {  	s16 =	sand.u32 $0x1FFFFFF0, s25  }
0x52: {  	[tilespmem:s26], [sflag:$0x1] =	stream.linear.gather [hbm4b:s17+s2], $0x20, $0x38;
	[tilespmem:$0x10400] =	vst v63  }
0x53: {  	s29 =	simm.s32 $0xA80;
	s28 =	spop (v2sf);
	s16 =	sadd.s32 s3, s16  }
0x54: {  	[tilespmem:s29], [sflag:$0x1] =	stream.strided.gather [hbm4b:s16+s12], $0x0, s13, s12, $0x38;
	[tilespmem:$0x10400] =	vst v63  }
0x55: {  	s17 =	sand.u32 $0x1FFFFFF0, s28  }
0x56: {  	[tilespmem:s29], [sflag:$0x1] =	stream.linear.gather [hbm4b:s16+s2], $0x20, $0x38;
	[tilespmem:$0x10400] =	vst v63  }
0x57: {  	s31 =	simm.s32 $0xB00;
	s30 =	spop (v2sf);
	s17 =	sadd.s32 s3, s17  }
0x58: {  	[tilespmem:s31], [sflag:$0x1] =	stream.strided.gather [hbm4b:s17+s12], $0x0, s13, s12, $0x38;
	[tilespmem:$0x10400] =	vst v63  }
0x59: {  	s18 =	simm.s32 $0xB80;
	s16 =	sand.u32 $0x1FFFFFF0, s30  }
0x5a: {  	[tilespmem:s31], [sflag:$0x1] =	stream.linear.gather [hbm4b:s17+s2], $0x20, $0x38;
	[tilespmem:$0x10400] =	vst v63  }
0x5b: {  	s19 =	sadd.s32 s3, s16;
	s16 =	simm.s32 $0x2000;
	s17 =	simm.s32 $0x0  }
0x5c: {  	[tilespmem:s18], [sflag:$0x1] =	stream.strided.gather [hbm4b:s19+s12], $0x0, s13, s12, $0x38;
	[tilespmem:$0x10400] =	vst v63  }
.LBB2_2:
0x5d: {  	p0 =	sne.s32 s16, $0x3E000  }
0x5e: {  	s17 =	sadd.s32 $0x10, s17;
	s20 =	smov.u32 s16;
	s16 =	sadd.s32 $0x2000, s16  }
0x5f: {  	[tilespmem:s18], [sflag:$0x1] =	stream.linear.gather [hbm4b:s19+s2], $0x20, $0x38;
	[tilespmem:$0x10400] =	vst v63  }
0x60: {  	v0 =	vld [tilespmem:s17+$0x0];
	_ =	sdelay $0x4  }
0x61: {  	v0 =	vshll.u32 v0, $0x4  }
0x62: {  	(v2sf) =	vpush v0, $0x0  }
0x63: {  	(v2sf) =	vpush v0, $0x1  }
0x64: {  	(v2sf) =	vpush v0, $0x2;
	_ =	sdelay $0x2  }
0x65: {  	(v2sf) =	vpush v0, $0x3;
	_ =	sdelay $0x1  }
0x66: {  	(v2sf) =	vpush v0, $0x4;
	_ =	sdelay $0x1  }
0x67: {  	(v2sf) =	vpush v0, $0x5;
	_ =	sdelay $0x1  }
0x68: {  	(v2sf) =	vpush v0, $0x6;
	_ =	sdelay $0x1  }
0x69: {  	(v2sf) =	vpush v0, $0x7;
	_ =	sdelay $0x1  }
0x6a: {  	s19 =	spop (v2sf);
	(v2sf) =	vpush v0, $0x8  }
0x6b: {  	s18 =	sshra.s32 s20, $0x2;
	s19 =	sand.u32 $0x1FFFFFF0, s19;
	s20 =	spop (v2sf)  }
0x6c: {  	s21 =	sadd.s32 $0x480, s18;
	s19 =	sadd.s32 s3, s19;
	s22 =	spop (v2sf);
	(v2sf) =	vpush v0, $0x9  }
0x6d: {  	s23 =	sadd.s32 $0x400, s18;
	s20 =	sand.u32 $0x1FFFFFF0, s20;
	s22 =	sand.u32 $0x1FFFFFF0, s22  }
0x6e: {  	[tilespmem:s23], [sflag:$0x1] =	stream.strided.gather [hbm4b:s19+s12], $0x0, s13, s12, $0x38;
	(v2sf) =	vpush v0, $0xA;
	[tilespmem:$0x10400] =	vst v63  }
0x6f: {  	s24 =	spop (v2sf)  }
0x70: {  	[tilespmem:s23], [sflag:$0x1] =	stream.linear.gather [hbm4b:s19+s2], $0x20, $0x38;
	(v2sf) =	vpush v0, $0xB;
	[tilespmem:$0x10400] =	vst v63  }
0x71: {  	s19 =	sadd.s32 s3, s20;
	s20 =	sand.u32 $0x1FFFFFF0, s24;
	s23 =	spop (v2sf)  }
0x72: {  	[tilespmem:s21], [sflag:$0x1] =	stream.strided.gather [hbm4b:s19+s12], $0x0, s13, s12, $0x38;
	(v2sf) =	vpush v0, $0xC;
	[tilespmem:$0x10400] =	vst v63  }
0x73: {  	s24 =	sadd.s32 $0x500, s18;
	s23 =	sand.u32 $0x1FFFFFF0, s23;
	s25 =	spop (v2sf)  }
0x74: {  	[tilespmem:s21], [sflag:$0x1] =	stream.linear.gather [hbm4b:s19+s2], $0x20, $0x38;
	[tilespmem:$0x10400] =	vst v63  }
0x75: {  	s19 =	sadd.s32 s3, s22;
	s21 =	sand.u32 $0x1FFFFFF0, s25;
	s22 =	spop (v2sf)  }
0x76: {  	[tilespmem:s24], [sflag:$0x1] =	stream.strided.gather [hbm4b:s19+s12], $0x0, s13, s12, $0x38;
	(v2sf) =	vpush v0, $0xD;
	[tilespmem:$0x10400] =	vst v63  }
0x77: {  	s25 =	sadd.s32 $0x580, s18;
	s22 =	sand.u32 $0x1FFFFFF0, s22;
	s26 =	spop (v2sf)  }
0x78: {  	[tilespmem:s24], [sflag:$0x1] =	stream.linear.gather [hbm4b:s19+s2], $0x20, $0x38;
	[tilespmem:$0x10400] =	vst v63  }
0x79: {  	s19 =	sadd.s32 s3, s20;
	s20 =	sand.u32 $0x1FFFFFF0, s26;
	s24 =	spop (v2sf)  }
0x7a: {  	[tilespmem:s25], [sflag:$0x1] =	stream.strided.gather [hbm4b:s19+s12], $0x0, s13, s12, $0x38;
	(v2sf) =	vpush v0, $0xE;
	[tilespmem:$0x10400] =	vst v63  }
0x7b: {  	s26 =	sadd.s32 $0x600, s18;
	s24 =	sand.u32 $0x1FFFFFF0, s24;
	s28 =	spop (v2sf)  }
0x7c: {  	[tilespmem:s25], [sflag:$0x1] =	stream.linear.gather [hbm4b:s19+s2], $0x20, $0x38;
	[tilespmem:$0x10400] =	vst v63  }
0x7d: {  	s19 =	sadd.s32 s3, s23;
	s23 =	sand.u32 $0x1FFFFFF0, s28;
	s25 =	spop (v2sf)  }
0x7e: {  	[tilespmem:s26], [sflag:$0x1] =	stream.strided.gather [hbm4b:s19+s12], $0x0, s13, s12, $0x38;
	(v2sf) =	vpush v0, $0xF;
	[tilespmem:$0x10400] =	vst v63  }
0x7f: {  	s28 =	sadd.s32 $0x680, s18;
	s25 =	sand.u32 $0x1FFFFFF0, s25;
	s29 =	spop (v2sf)  }
0x80: {  	[tilespmem:s26], [sflag:$0x1] =	stream.linear.gather [hbm4b:s19+s2], $0x20, $0x38;
	[tilespmem:$0x10400] =	vst v63  }
0x81: {  	s19 =	sadd.s32 s3, s21;
	s21 =	sand.u32 $0x1FFFFFF0, s29;
	s26 =	spop (v2sf)  }
0x82: {  	[tilespmem:s28], [sflag:$0x1] =	stream.strided.gather [hbm4b:s19+s12], $0x0, s13, s12, $0x38;
	[tilespmem:$0x10400] =	vst v63  }
0x83: {  	s22 =	sadd.s32 s3, s22;
	s29 =	sadd.s32 $0x700, s18;
	s26 =	sand.u32 $0x1FFFFFF0, s26  }
0x84: {  	[tilespmem:s28], [sflag:$0x1] =	stream.linear.gather [hbm4b:s19+s2], $0x20, $0x38;
	[tilespmem:$0x10400] =	vst v63  }
0x85: {  	s19 =	spop (v2sf)  }
0x86: {  	[tilespmem:s29], [sflag:$0x1] =	stream.strided.gather [hbm4b:s22+s12], $0x0, s13, s12, $0x38;
	[tilespmem:$0x10400] =	vst v63  }
0x87: {  	s20 =	sadd.s32 s3, s20;
	s28 =	sadd.s32 $0x780, s18;
	s19 =	sand.u32 $0x1FFFFFF0, s19  }
0x88: {  	[tilespmem:s29], [sflag:$0x1] =	stream.linear.gather [hbm4b:s22+s2], $0x20, $0x38;
	[tilespmem:$0x10400] =	vst v63  }
0x89: {  	s22 =	spop (v2sf)  }
0x8a: {  	[tilespmem:s28], [sflag:$0x1] =	stream.strided.gather [hbm4b:s20+s12], $0x0, s13, s12, $0x38;
	[tilespmem:$0x10400] =	vst v63  }
0x8b: {  	s24 =	sadd.s32 s3, s24;
	s29 =	sadd.s32 $0x800, s18;
	s22 =	sand.u32 $0x1FFFFFF0, s22  }
0x8c: {  	[tilespmem:s28], [sflag:$0x1] =	stream.linear.gather [hbm4b:s20+s2], $0x20, $0x38;
	[tilespmem:$0x10400] =	vst v63  }
0x8d: {  	s20 =	spop (v2sf)  }
0x8e: {  	[tilespmem:s29], [sflag:$0x1] =	stream.strided.gather [hbm4b:s24+s12], $0x0, s13, s12, $0x38;
	[tilespmem:$0x10400] =	vst v63  }
0x8f: {  	s23 =	sadd.s32 s3, s23;
	s28 =	sadd.s32 $0x880, s18;
	s20 =	sand.u32 $0x1FFFFFF0, s20  }
0x90: {  	[tilespmem:s29], [sflag:$0x1] =	stream.linear.gather [hbm4b:s24+s2], $0x20, $0x38;
	[tilespmem:$0x10400] =	vst v63  }
0x91: {  	_ = 	snop  }
0x92: {  	[tilespmem:s28], [sflag:$0x1] =	stream.strided.gather [hbm4b:s23+s12], $0x0, s13, s12, $0x38;
	[tilespmem:$0x10400] =	vst v63  }
0x93: {  	s25 =	sadd.s32 s3, s25;
	s24 =	sadd.s32 $0x900, s18  }
0x94: {  	[tilespmem:s28], [sflag:$0x1] =	stream.linear.gather [hbm4b:s23+s2], $0x20, $0x38;
	[tilespmem:$0x10400] =	vst v63  }
0x95: {  	_ = 	snop  }
0x96: {  	[tilespmem:s24], [sflag:$0x1] =	stream.strided.gather [hbm4b:s25+s12], $0x0, s13, s12, $0x38;
	[tilespmem:$0x10400] =	vst v63  }
0x97: {  	s21 =	sadd.s32 s3, s21;
	s23 =	sadd.s32 $0x980, s18  }
0x98: {  	[tilespmem:s24], [sflag:$0x1] =	stream.linear.gather [hbm4b:s25+s2], $0x20, $0x38;
	[tilespmem:$0x10400] =	vst v63  }
0x99: {  	_ = 	snop  }
0x9a: {  	[tilespmem:s23], [sflag:$0x1] =	stream.strided.gather [hbm4b:s21+s12], $0x0, s13, s12, $0x38;
	[tilespmem:$0x10400] =	vst v63  }
0x9b: {  	s24 =	sadd.s32 $0xA00, s18;
	s25 =	sadd.s32 s3, s26  }
0x9c: {  	[tilespmem:s23], [sflag:$0x1] =	stream.linear.gather [hbm4b:s21+s2], $0x20, $0x38;
	[tilespmem:$0x10400] =	vst v63  }
0x9d: {  	_ = 	snop  }
0x9e: {  	[tilespmem:s24], [sflag:$0x1] =	stream.strided.gather [hbm4b:s25+s12], $0x0, s13, s12, $0x38;
	[tilespmem:$0x10400] =	vst v63  }
0x9f: {  	s19 =	sadd.s32 s3, s19;
	s21 =	sadd.s32 $0xA80, s18  }
0xa0: {  	[tilespmem:s24], [sflag:$0x1] =	stream.linear.gather [hbm4b:s25+s2], $0x20, $0x38;
	[tilespmem:$0x10400] =	vst v63  }
0xa1: {  	_ = 	snop  }
0xa2: {  	[tilespmem:s21], [sflag:$0x1] =	stream.strided.gather [hbm4b:s19+s12], $0x0, s13, s12, $0x38;
	[tilespmem:$0x10400] =	vst v63  }
0xa3: {  	s22 =	sadd.s32 s3, s22;
	s23 =	sadd.s32 $0xB00, s18  }
0xa4: {  	[tilespmem:s21], [sflag:$0x1] =	stream.linear.gather [hbm4b:s19+s2], $0x20, $0x38;
	[tilespmem:$0x10400] =	vst v63  }
0xa5: {  	_ = 	snop  }
0xa6: {  	[tilespmem:s23], [sflag:$0x1] =	stream.strided.gather [hbm4b:s22+s12], $0x0, s13, s12, $0x38;
	[tilespmem:$0x10400] =	vst v63  }
.Ltmp0:
0xa7: {  	_ = 	snop;
	(pc) =	sbr.rel @p0 .LBB2_2-.Ltmp0, $4  }
0xa8: {  	s18 =	sadd.s32 $0xB80, s18;
	s19 =	sadd.s32 s3, s20  }
0xa9: {  	[tilespmem:s23], [sflag:$0x1] =	stream.linear.gather [hbm4b:s22+s2], $0x20, $0x38;
	[tilespmem:$0x10400] =	vst v63  }
0xaa: {  	_ = 	snop  }
0xab: {  	[tilespmem:s18], [sflag:$0x1] =	stream.strided.gather [hbm4b:s19+s12], $0x0, s13, s12, $0x38;
	[tilespmem:$0x10400] =	vst v63  }
0xac: {  	[tilespmem:s18], [sflag:$0x1] =	stream.linear.gather [hbm4b:s19+s2], $0x20, $0x38;
	[tilespmem:$0x10400] =	vst v63  }
0xad: {  	_ =	swait.ge [sflag:s14], $0x20  }
0xae: {  	s16 =	simm.s32 $0x1FF;
	[sflag:s14] =	ssyncset.done $0x0  }
.LBB2_4:
0xaf: {  	p0 =	sne.s32 s16, $0x1;
	s16 =	sadd.s32 $0xFFFFFFFF, s16;
	[sflag:s14] =	ssyncadd.s32 $0xFFFFFFE0  }
.Ltmp1:
0xb0: {  	(pc) =	sbr.rel @p0 .LBB2_4-.Ltmp1, $3  }
0xb1: {  	_ =	sdelay $0x1  }
0xb2: {  	_ =	swait.ge [sflag:s14], $0x20  }
0xb3: {  	[sflag:s14] =	ssyncset.done $0x0  }
0xb4: {  	[sflag:s14] =	ssyncadd.s32 $0xFFFFFFE0;
	s16 =	simm.s32 $0x0  }
0xb5: {  	[hbm4b:s7+s16] =	stream.linear.scatter [tilespmem:s13], [sflag:$0x2], $0x10000, $0x38;
	[tilespmem:$0x10400] =	vst v63  }
0xb6: {  	_ =	swait.ge [sflag:s10], $0x10000  }
0xb7: {  	[sflag:s10] =	ssyncset.done $0x0  }
0xb8: {  	s16 =	simm.s32 $0x200;
	[sflag:s10] =	ssyncadd.s32 $0xFFFF0000  }
0xb9: {  	v0 =	vld [tilespmem:s16+$0x0];
	_ =	sdelay $0x4  }
0xba: {  	v0 =	vshll.u32 v0, $0x4  }
0xbb: {  	(v2sf) =	vpush v0, $0x0;
	_ =	sdelay $0x1  }
0xbc: {  	(v2sf) =	vpush v0, $0x1;
	_ =	sdelay $0x3  }
0xbd: {  	(v2sf) =	vpush v0, $0x2;
	_ =	sdelay $0x3  }
0xbe: {  	(v2sf) =	vpush v0, $0x3;
	_ =	sdelay $0x3  }
0xbf: {  	(v2sf) =	vpush v0, $0x4  }
0xc0: {  	s17 =	spop (v2sf)  }
0xc1: {  	s17 =	sand.u32 $0x1FFFFFF0, s17  }
0xc2: {  	s19 =	simm.s32 $0x400;
	s18 =	spop (v2sf);
	s17 =	sadd.s32 s4, s17  }
0xc3: {  	(v2sf) =	vpush v0, $0x5;
	[tilespmem:s19], [sflag:$0x1] =	stream.strided.gather [hbm4b:s17+s12], $0x0, s13, s12, $0x38;
	[tilespmem:$0x10400] =	vst v63  }
0xc4: {  	s18 =	sand.u32 $0x1FFFFFF0, s18  }
0xc5: {  	[tilespmem:s19], [sflag:$0x1] =	stream.linear.gather [hbm4b:s17+s2], $0x20, $0x38;
	[tilespmem:$0x10400] =	vst v63  }
0xc6: {  	s28 =	simm.s32 $0x480;
	s29 =	spop (v2sf);
	s18 =	sadd.s32 s4, s18  }
0xc7: {  	(v2sf) =	vpush v0, $0x6;
	[tilespmem:s28], [sflag:$0x1] =	stream.strided.gather [hbm4b:s18+s12], $0x0, s13, s12, $0x38;
	[tilespmem:$0x10400] =	vst v63  }
0xc8: {  	s19 =	sand.u32 $0x1FFFFFF0, s29  }
0xc9: {  	[tilespmem:s28], [sflag:$0x1] =	stream.linear.gather [hbm4b:s18+s2], $0x20, $0x38;
	[tilespmem:$0x10400] =	vst v63  }
0xca: {  	s31 =	simm.s32 $0x500;
	s30 =	spop (v2sf);
	s19 =	sadd.s32 s4, s19  }
0xcb: {  	(v2sf) =	vpush v0, $0x7;
	[tilespmem:s31], [sflag:$0x1] =	stream.strided.gather [hbm4b:s19+s12], $0x0, s13, s12, $0x38;
	[tilespmem:$0x10400] =	vst v63  }
0xcc: {  	s17 =	sand.u32 $0x1FFFFFF0, s30  }
0xcd: {  	[tilespmem:s31], [sflag:$0x1] =	stream.linear.gather [hbm4b:s19+s2], $0x20, $0x38;
	[tilespmem:$0x10400] =	vst v63  }
0xce: {  	s20 =	simm.s32 $0x580;
	s17 =	sadd.s32 s4, s17;
	s19 =	spop (v2sf)  }
0xcf: {  	(v2sf) =	vpush v0, $0x8;
	[tilespmem:s20], [sflag:$0x1] =	stream.strided.gather [hbm4b:s17+s12], $0x0, s13, s12, $0x38;
	[tilespmem:$0x10400] =	vst v63  }
0xd0: {  	s18 =	sand.u32 $0x1FFFFFF0, s19  }
0xd1: {  	[tilespmem:s20], [sflag:$0x1] =	stream.linear.gather [hbm4b:s17+s2], $0x20, $0x38;
	[tilespmem:$0x10400] =	vst v63  }
0xd2: {  	s22 =	simm.s32 $0x600;
	s21 =	spop (v2sf);
	s18 =	sadd.s32 s4, s18  }
0xd3: {  	(v2sf) =	vpush v0, $0x9;
	[tilespmem:s22], [sflag:$0x1] =	stream.strided.gather [hbm4b:s18+s12], $0x0, s13, s12, $0x38;
	[tilespmem:$0x10400] =	vst v63  }
0xd4: {  	s17 =	sand.u32 $0x1FFFFFF0, s21  }
0xd5: {  	[tilespmem:s22], [sflag:$0x1] =	stream.linear.gather [hbm4b:s18+s2], $0x20, $0x38;
	[tilespmem:$0x10400] =	vst v63  }
0xd6: {  	s24 =	simm.s32 $0x680;
	s23 =	spop (v2sf);
	s17 =	sadd.s32 s4, s17  }
0xd7: {  	(v2sf) =	vpush v0, $0xA;
	[tilespmem:s24], [sflag:$0x1] =	stream.strided.gather [hbm4b:s17+s12], $0x0, s13, s12, $0x38;
	[tilespmem:$0x10400] =	vst v63  }
0xd8: {  	s18 =	sand.u32 $0x1FFFFFF0, s23  }
0xd9: {  	[tilespmem:s24], [sflag:$0x1] =	stream.linear.gather [hbm4b:s17+s2], $0x20, $0x38;
	[tilespmem:$0x10400] =	vst v63  }
0xda: {  	s26 =	simm.s32 $0x700;
	s25 =	spop (v2sf);
	s18 =	sadd.s32 s4, s18  }
0xdb: {  	(v2sf) =	vpush v0, $0xB;
	[tilespmem:s26], [sflag:$0x1] =	stream.strided.gather [hbm4b:s18+s12], $0x0, s13, s12, $0x38;
	[tilespmem:$0x10400] =	vst v63  }
0xdc: {  	s17 =	sand.u32 $0x1FFFFFF0, s25  }
0xdd: {  	[tilespmem:s26], [sflag:$0x1] =	stream.linear.gather [hbm4b:s18+s2], $0x20, $0x38;
	[tilespmem:$0x10400] =	vst v63  }
0xde: {  	s29 =	simm.s32 $0x780;
	s28 =	spop (v2sf);
	s17 =	sadd.s32 s4, s17  }
0xdf: {  	(v2sf) =	vpush v0, $0xC;
	[tilespmem:s29], [sflag:$0x1] =	stream.strided.gather [hbm4b:s17+s12], $0x0, s13, s12, $0x38;
	[tilespmem:$0x10400] =	vst v63  }
0xe0: {  	s18 =	sand.u32 $0x1FFFFFF0, s28  }
0xe1: {  	[tilespmem:s29], [sflag:$0x1] =	stream.linear.gather [hbm4b:s17+s2], $0x20, $0x38;
	[tilespmem:$0x10400] =	vst v63  }
0xe2: {  	s31 =	simm.s32 $0x800;
	s30 =	spop (v2sf);
	s18 =	sadd.s32 s4, s18  }
0xe3: {  	(v2sf) =	vpush v0, $0xD;
	[tilespmem:s31], [sflag:$0x1] =	stream.strided.gather [hbm4b:s18+s12], $0x0, s13, s12, $0x38;
	[tilespmem:$0x10400] =	vst v63  }
0xe4: {  	s17 =	sand.u32 $0x1FFFFFF0, s30  }
0xe5: {  	[tilespmem:s31], [sflag:$0x1] =	stream.linear.gather [hbm4b:s18+s2], $0x20, $0x38;
	[tilespmem:$0x10400] =	vst v63  }
0xe6: {  	s20 =	simm.s32 $0x880;
	s19 =	spop (v2sf);
	s17 =	sadd.s32 s4, s17  }
0xe7: {  	(v2sf) =	vpush v0, $0xE;
	[tilespmem:s20], [sflag:$0x1] =	stream.strided.gather [hbm4b:s17+s12], $0x0, s13, s12, $0x38;
	[tilespmem:$0x10400] =	vst v63  }
0xe8: {  	s18 =	sand.u32 $0x1FFFFFF0, s19  }
0xe9: {  	[tilespmem:s20], [sflag:$0x1] =	stream.linear.gather [hbm4b:s17+s2], $0x20, $0x38;
	[tilespmem:$0x10400] =	vst v63  }
0xea: {  	s22 =	simm.s32 $0x900;
	s21 =	spop (v2sf);
	s18 =	sadd.s32 s4, s18  }
0xeb: {  	(v2sf) =	vpush v0, $0xF;
	[tilespmem:s22], [sflag:$0x1] =	stream.strided.gather [hbm4b:s18+s12], $0x0, s13, s12, $0x38;
	[tilespmem:$0x10400] =	vst v63  }
0xec: {  	s17 =	sand.u32 $0x1FFFFFF0, s21  }
0xed: {  	[tilespmem:s22], [sflag:$0x1] =	stream.linear.gather [hbm4b:s18+s2], $0x20, $0x38;
	[tilespmem:$0x10400] =	vst v63  }
0xee: {  	s24 =	simm.s32 $0x980;
	s23 =	spop (v2sf);
	s17 =	sadd.s32 s4, s17  }
0xef: {  	[tilespmem:s24], [sflag:$0x1] =	stream.strided.gather [hbm4b:s17+s12], $0x0, s13, s12, $0x38;
	[tilespmem:$0x10400] =	vst v63  }
0xf0: {  	s18 =	sand.u32 $0x1FFFFFF0, s23  }
0xf1: {  	[tilespmem:s24], [sflag:$0x1] =	stream.linear.gather [hbm4b:s17+s2], $0x20, $0x38;
	[tilespmem:$0x10400] =	vst v63  }
0xf2: {  	s26 =	simm.s32 $0xA00;
	s25 =	spop (v2sf);
	s18 =	sadd.s32 s4, s18  }
0xf3: {  	[tilespmem:s26], [sflag:$0x1] =	stream.strided.gather [hbm4b:s18+s12], $0x0, s13, s12, $0x38;
	[tilespmem:$0x10400] =	vst v63  }
0xf4: {  	s17 =	sand.u32 $0x1FFFFFF0, s25  }
0xf5: {  	[tilespmem:s26], [sflag:$0x1] =	stream.linear.gather [hbm4b:s18+s2], $0x20, $0x38;
	[tilespmem:$0x10400] =	vst v63  }
0xf6: {  	s29 =	simm.s32 $0xA80;
	s28 =	spop (v2sf);
	s17 =	sadd.s32 s4, s17  }
0xf7: {  	[tilespmem:s29], [sflag:$0x1] =	stream.strided.gather [hbm4b:s17+s12], $0x0, s13, s12, $0x38;
	[tilespmem:$0x10400] =	vst v63  }
0xf8: {  	s18 =	sand.u32 $0x1FFFFFF0, s28  }
0xf9: {  	[tilespmem:s29], [sflag:$0x1] =	stream.linear.gather [hbm4b:s17+s2], $0x20, $0x38;
	[tilespmem:$0x10400] =	vst v63  }
0xfa: {  	s31 =	simm.s32 $0xB00;
	s30 =	spop (v2sf);
	s18 =	sadd.s32 s4, s18  }
0xfb: {  	[tilespmem:s31], [sflag:$0x1] =	stream.strided.gather [hbm4b:s18+s12], $0x0, s13, s12, $0x38;
	[tilespmem:$0x10400] =	vst v63  }
0xfc: {  	s17 =	sand.u32 $0x1FFFFFF0, s30  }
0xfd: {  	[tilespmem:s31], [sflag:$0x1] =	stream.linear.gather [hbm4b:s18+s2], $0x20, $0x38;
	[tilespmem:$0x10400] =	vst v63  }
0xfe: {  	s19 =	sadd.s32 s4, s17;
	s17 =	simm.s32 $0x2000;
	s18 =	simm.s32 $0xB80  }
0xff: {  	[tilespmem:s18], [sflag:$0x1] =	stream.strided.gather [hbm4b:s19+s12], $0x0, s13, s12, $0x38;
	[tilespmem:$0x10400] =	vst v63  }
.LBB2_6:
0x100: {  	p0 =	sne.s32 s17, $0x3E000  }
0x101: {  	s16 =	sadd.s32 $0x10, s16;
	s20 =	smov.u32 s17;
	s17 =	sadd.s32 $0x2000, s17  }
0x102: {  	[tilespmem:s18], [sflag:$0x1] =	stream.linear.gather [hbm4b:s19+s2], $0x20, $0x38;
	[tilespmem:$0x10400] =	vst v63  }
0x103: {  	v0 =	vld [tilespmem:s16+$0x0];
	_ =	sdelay $0x4  }
0x104: {  	v0 =	vshll.u32 v0, $0x4  }
0x105: {  	(v2sf) =	vpush v0, $0x0  }
0x106: {  	(v2sf) =	vpush v0, $0x1  }
0x107: {  	(v2sf) =	vpush v0, $0x2;
	_ =	sdelay $0x2  }
0x108: {  	(v2sf) =	vpush v0, $0x3;
	_ =	sdelay $0x1  }
0x109: {  	(v2sf) =	vpush v0, $0x4;
	_ =	sdelay $0x1  }
0x10a: {  	(v2sf) =	vpush v0, $0x5;
	_ =	sdelay $0x1  }
0x10b: {  	(v2sf) =	vpush v0, $0x6;
	_ =	sdelay $0x1  }
0x10c: {  	(v2sf) =	vpush v0, $0x7;
	_ =	sdelay $0x1  }
0x10d: {  	s19 =	spop (v2sf);
	(v2sf) =	vpush v0, $0x8  }
0x10e: {  	s18 =	sshra.s32 s20, $0x2;
	s19 =	sand.u32 $0x1FFFFFF0, s19;
	s20 =	spop (v2sf)  }
0x10f: {  	s21 =	sadd.s32 $0x480, s18;
	s19 =	sadd.s32 s4, s19;
	s22 =	spop (v2sf);
	(v2sf) =	vpush v0, $0x9  }
0x110: {  	s23 =	sadd.s32 $0x400, s18;
	s20 =	sand.u32 $0x1FFFFFF0, s20;
	s22 =	sand.u32 $0x1FFFFFF0, s22  }
0x111: {  	[tilespmem:s23], [sflag:$0x1] =	stream.strided.gather [hbm4b:s19+s12], $0x0, s13, s12, $0x38;
	(v2sf) =	vpush v0, $0xA;
	[tilespmem:$0x10400] =	vst v63  }
0x112: {  	s24 =	spop (v2sf)  }
0x113: {  	[tilespmem:s23], [sflag:$0x1] =	stream.linear.gather [hbm4b:s19+s2], $0x20, $0x38;
	(v2sf) =	vpush v0, $0xB;
	[tilespmem:$0x10400] =	vst v63  }
0x114: {  	s19 =	sadd.s32 s4, s20;
	s20 =	sand.u32 $0x1FFFFFF0, s24;
	s23 =	spop (v2sf)  }
0x115: {  	[tilespmem:s21], [sflag:$0x1] =	stream.strided.gather [hbm4b:s19+s12], $0x0, s13, s12, $0x38;
	(v2sf) =	vpush v0, $0xC;
	[tilespmem:$0x10400] =	vst v63  }
0x116: {  	s24 =	sadd.s32 $0x500, s18;
	s23 =	sand.u32 $0x1FFFFFF0, s23;
	s25 =	spop (v2sf)  }
0x117: {  	[tilespmem:s21], [sflag:$0x1] =	stream.linear.gather [hbm4b:s19+s2], $0x20, $0x38;
	[tilespmem:$0x10400] =	vst v63  }
0x118: {  	s19 =	sadd.s32 s4, s22;
	s21 =	sand.u32 $0x1FFFFFF0, s25;
	s22 =	spop (v2sf)  }
0x119: {  	[tilespmem:s24], [sflag:$0x1] =	stream.strided.gather [hbm4b:s19+s12], $0x0, s13, s12, $0x38;
	(v2sf) =	vpush v0, $0xD;
	[tilespmem:$0x10400] =	vst v63  }
0x11a: {  	s25 =	sadd.s32 $0x580, s18;
	s22 =	sand.u32 $0x1FFFFFF0, s22;
	s26 =	spop (v2sf)  }
0x11b: {  	[tilespmem:s24], [sflag:$0x1] =	stream.linear.gather [hbm4b:s19+s2], $0x20, $0x38;
	[tilespmem:$0x10400] =	vst v63  }
0x11c: {  	s19 =	sadd.s32 s4, s20;
	s20 =	sand.u32 $0x1FFFFFF0, s26;
	s24 =	spop (v2sf)  }
0x11d: {  	[tilespmem:s25], [sflag:$0x1] =	stream.strided.gather [hbm4b:s19+s12], $0x0, s13, s12, $0x38;
	(v2sf) =	vpush v0, $0xE;
	[tilespmem:$0x10400] =	vst v63  }
0x11e: {  	s26 =	sadd.s32 $0x600, s18;
	s24 =	sand.u32 $0x1FFFFFF0, s24;
	s28 =	spop (v2sf)  }
0x11f: {  	[tilespmem:s25], [sflag:$0x1] =	stream.linear.gather [hbm4b:s19+s2], $0x20, $0x38;
	[tilespmem:$0x10400] =	vst v63  }
0x120: {  	s19 =	sadd.s32 s4, s23;
	s23 =	sand.u32 $0x1FFFFFF0, s28;
	s25 =	spop (v2sf)  }
0x121: {  	[tilespmem:s26], [sflag:$0x1] =	stream.strided.gather [hbm4b:s19+s12], $0x0, s13, s12, $0x38;
	(v2sf) =	vpush v0, $0xF;
	[tilespmem:$0x10400] =	vst v63  }
0x122: {  	s28 =	sadd.s32 $0x680, s18;
	s25 =	sand.u32 $0x1FFFFFF0, s25;
	s29 =	spop (v2sf)  }
0x123: {  	[tilespmem:s26], [sflag:$0x1] =	stream.linear.gather [hbm4b:s19+s2], $0x20, $0x38;
	[tilespmem:$0x10400] =	vst v63  }
0x124: {  	s19 =	sadd.s32 s4, s21;
	s21 =	sand.u32 $0x1FFFFFF0, s29;
	s26 =	spop (v2sf)  }
0x125: {  	[tilespmem:s28], [sflag:$0x1] =	stream.strided.gather [hbm4b:s19+s12], $0x0, s13, s12, $0x38;
	[tilespmem:$0x10400] =	vst v63  }
0x126: {  	s22 =	sadd.s32 s4, s22;
	s29 =	sadd.s32 $0x700, s18;
	s26 =	sand.u32 $0x1FFFFFF0, s26  }
0x127: {  	[tilespmem:s28], [sflag:$0x1] =	stream.linear.gather [hbm4b:s19+s2], $0x20, $0x38;
	[tilespmem:$0x10400] =	vst v63  }
0x128: {  	s19 =	spop (v2sf)  }
0x129: {  	[tilespmem:s29], [sflag:$0x1] =	stream.strided.gather [hbm4b:s22+s12], $0x0, s13, s12, $0x38;
	[tilespmem:$0x10400] =	vst v63  }
0x12a: {  	s20 =	sadd.s32 s4, s20;
	s28 =	sadd.s32 $0x780, s18;
	s19 =	sand.u32 $0x1FFFFFF0, s19  }
0x12b: {  	[tilespmem:s29], [sflag:$0x1] =	stream.linear.gather [hbm4b:s22+s2], $0x20, $0x38;
	[tilespmem:$0x10400] =	vst v63  }
0x12c: {  	s22 =	spop (v2sf)  }
0x12d: {  	[tilespmem:s28], [sflag:$0x1] =	stream.strided.gather [hbm4b:s20+s12], $0x0, s13, s12, $0x38;
	[tilespmem:$0x10400] =	vst v63  }
0x12e: {  	s24 =	sadd.s32 s4, s24;
	s29 =	sadd.s32 $0x800, s18;
	s22 =	sand.u32 $0x1FFFFFF0, s22  }
0x12f: {  	[tilespmem:s28], [sflag:$0x1] =	stream.linear.gather [hbm4b:s20+s2], $0x20, $0x38;
	[tilespmem:$0x10400] =	vst v63  }
0x130: {  	s20 =	spop (v2sf)  }
0x131: {  	[tilespmem:s29], [sflag:$0x1] =	stream.strided.gather [hbm4b:s24+s12], $0x0, s13, s12, $0x38;
	[tilespmem:$0x10400] =	vst v63  }
0x132: {  	s23 =	sadd.s32 s4, s23;
	s28 =	sadd.s32 $0x880, s18;
	s20 =	sand.u32 $0x1FFFFFF0, s20  }
0x133: {  	[tilespmem:s29], [sflag:$0x1] =	stream.linear.gather [hbm4b:s24+s2], $0x20, $0x38;
	[tilespmem:$0x10400] =	vst v63  }
0x134: {  	_ = 	snop  }
0x135: {  	[tilespmem:s28], [sflag:$0x1] =	stream.strided.gather [hbm4b:s23+s12], $0x0, s13, s12, $0x38;
	[tilespmem:$0x10400] =	vst v63  }
0x136: {  	s25 =	sadd.s32 s4, s25;
	s24 =	sadd.s32 $0x900, s18  }
0x137: {  	[tilespmem:s28], [sflag:$0x1] =	stream.linear.gather [hbm4b:s23+s2], $0x20, $0x38;
	[tilespmem:$0x10400] =	vst v63  }
0x138: {  	_ = 	snop  }
0x139: {  	[tilespmem:s24], [sflag:$0x1] =	stream.strided.gather [hbm4b:s25+s12], $0x0, s13, s12, $0x38;
	[tilespmem:$0x10400] =	vst v63  }
0x13a: {  	s21 =	sadd.s32 s4, s21;
	s23 =	sadd.s32 $0x980, s18  }
0x13b: {  	[tilespmem:s24], [sflag:$0x1] =	stream.linear.gather [hbm4b:s25+s2], $0x20, $0x38;
	[tilespmem:$0x10400] =	vst v63  }
0x13c: {  	_ = 	snop  }
0x13d: {  	[tilespmem:s23], [sflag:$0x1] =	stream.strided.gather [hbm4b:s21+s12], $0x0, s13, s12, $0x38;
	[tilespmem:$0x10400] =	vst v63  }
0x13e: {  	s24 =	sadd.s32 $0xA00, s18;
	s25 =	sadd.s32 s4, s26  }
0x13f: {  	[tilespmem:s23], [sflag:$0x1] =	stream.linear.gather [hbm4b:s21+s2], $0x20, $0x38;
	[tilespmem:$0x10400] =	vst v63  }
0x140: {  	_ = 	snop  }
0x141: {  	[tilespmem:s24], [sflag:$0x1] =	stream.strided.gather [hbm4b:s25+s12], $0x0, s13, s12, $0x38;
	[tilespmem:$0x10400] =	vst v63  }
0x142: {  	s19 =	sadd.s32 s4, s19;
	s21 =	sadd.s32 $0xA80, s18  }
0x143: {  	[tilespmem:s24], [sflag:$0x1] =	stream.linear.gather [hbm4b:s25+s2], $0x20, $0x38;
	[tilespmem:$0x10400] =	vst v63  }
0x144: {  	_ = 	snop  }
0x145: {  	[tilespmem:s21], [sflag:$0x1] =	stream.strided.gather [hbm4b:s19+s12], $0x0, s13, s12, $0x38;
	[tilespmem:$0x10400] =	vst v63  }
0x146: {  	s22 =	sadd.s32 s4, s22;
	s23 =	sadd.s32 $0xB00, s18  }
0x147: {  	[tilespmem:s21], [sflag:$0x1] =	stream.linear.gather [hbm4b:s19+s2], $0x20, $0x38;
	[tilespmem:$0x10400] =	vst v63  }
0x148: {  	_ = 	snop  }
0x149: {  	[tilespmem:s23], [sflag:$0x1] =	stream.strided.gather [hbm4b:s22+s12], $0x0, s13, s12, $0x38;
	[tilespmem:$0x10400] =	vst v63  }
.Ltmp2:
0x14a: {  	_ = 	snop;
	(pc) =	sbr.rel @p0 .LBB2_6-.Ltmp2, $4  }
0x14b: {  	s18 =	sadd.s32 $0xB80, s18;
	s19 =	sadd.s32 s4, s20  }
0x14c: {  	[tilespmem:s23], [sflag:$0x1] =	stream.linear.gather [hbm4b:s22+s2], $0x20, $0x38;
	[tilespmem:$0x10400] =	vst v63  }
0x14d: {  	_ = 	snop  }
0x14e: {  	[tilespmem:s18], [sflag:$0x1] =	stream.strided.gather [hbm4b:s19+s12], $0x0, s13, s12, $0x38;
	[tilespmem:$0x10400] =	vst v63  }
0x14f: {  	[tilespmem:s18], [sflag:$0x1] =	stream.linear.gather [hbm4b:s19+s2], $0x20, $0x38;
	[tilespmem:$0x10400] =	vst v63  }
0x150: {  	_ =	swait.ge [sflag:s14], $0x20  }
0x151: {  	s16 =	simm.s32 $0x1FF;
	[sflag:s14] =	ssyncset.done $0x0  }
.LBB2_8:
0x152: {  	p0 =	sne.s32 s16, $0x1;
	s16 =	sadd.s32 $0xFFFFFFFF, s16;
	[sflag:s14] =	ssyncadd.s32 $0xFFFFFFE0  }
.Ltmp3:
0x153: {  	(pc) =	sbr.rel @p0 .LBB2_8-.Ltmp3, $3  }
0x154: {  	_ =	sdelay $0x1  }
0x155: {  	_ =	swait.ge [sflag:s14], $0x20  }
0x156: {  	[sflag:s14] =	ssyncset.done $0x0  }
0x157: {  	s15 =	sadd.s32 $0x1, s15  }
0x158: {  	p0 =	sne.s32 s15, s9  }
.Ltmp4:
0x159: {  	[sflag:s14] =	ssyncadd.s32 $0xFFFFFFE0;
	(pc) =	sbr.rel @p0 .LBB2_1-.Ltmp4, $4  }
0x15a: {  	[hbm4b:s8+s2] =	stream.linear.scatter [tilespmem:s13], [sflag:$0x2], $0x10000, $0x38;
	[tilespmem:$0x10400] =	vst v63  }
0x15b: {  	_ =	swait.ge [sflag:s10], $0x10000  }
0x15c: {  	[sflag:s10] =	ssyncset.done $0x0  }
0x15d: {  	[sflag:s10] =	ssyncadd.s32 $0xFFFF0000  }
0x15e: {  	_ =	sfence.sel $0x180000  }
0x15f: {  	[bflag:$0x0] =	sbarrier.arrive $0xFFFF  }
0x160: {  	p0 =	sne.s32 s1, $0x0;
	_ =	strace $0x90000047  }
0x161: {  	s0 =	sadd.s32 @!p0 $0x100000, s0;
	[bflag:$0x2] =	sbarrier.arrive $0xFFFF  }
0x162: {  	[sflag:s0] =	ssyncadd.tile.s32 @!p0 $0x1;
	_ =	shalt  }
.Lfunc_end2:
_tile_overlayer_lowered:
.L_overlay_start_2:
0x163: {  	(tag) =	ssettag $0x2  }
0x164: {  	s0 =	rddreg [dreg:$0x0];
	s2 =	stileid.u32  }
0x165: {  	s1 =	rddreg [dreg:$0x1];
	p0 =	sne.s32 s2, $0x0  }
0x166: {  	s3 =	rddreg [dreg:$0x2];
	[bflag:$0x3] =	sbarrier.arrive $0xFFFF;
	s2 =	simm.s32 @!p0 $0x1C02  }
0x167: {  	[timem:s3], [sflag:s2] =	dma.local @!p0 [hbm:s0], s1  }
0x168: {  	s0 =	simm.s32 @!p0 $0x2  }
0x169: {  	_ =	swait.ge @!p0 [sflag:s0], s1  }
0x16a: {  	s1 =	ssub.s32 @!p0 $0x0, s1;
	[sflag:s0] =	ssyncset.done @!p0 $0x0  }
0x16b: {  	[sflag:s0] =	ssyncadd.s32 @!p0 s1  }
0x16c: {  	[bflag:$0x3] =	sbarrier.arrive $0xFFFF  }
0x16d: {  	_ =	shalt  }

</sc_bundles>
